<compile_context>
chip_gen: v7x
topology: tpu7x:2x2x1
jax: 0.10.2.dev20260603
libtpu: 0.0.44.dev20260713+nightly
codegen_flags: <defaults>
</compile_context>

<pallas_src>
import jax
import jax.numpy as jnp
from jax import lax
from jax.experimental import pallas as pl
from jax.experimental.pallas import tpu as pltpu
from jax.experimental.pallas import tpu_sc as plsc

B = 4
N = 8192
S = 512
NS = 32
R2 = 0.2 * 0.2
CPAD = 32

NC = 2
NSUB = 16
NW = NC * NSUB
ROWS = B * S * NS
RPW = ROWS // NW
GCH = 128
NCHUNK = RPW // GCH


NR = N // 128
SR = S // 128


def _fps_body(xyz_ref, inds_ref, nx_ref):
    X = xyz_ref[0]
    Y = xyz_ref[1]
    Z = xyz_ref[2]
    niota = (lax.broadcasted_iota(jnp.int32, (B, NR, 128), 1) * 128
             + lax.broadcasted_iota(jnp.int32, (B, NR, 128), 2))
    siota = (lax.broadcasted_iota(jnp.int32, (B, SR, 128), 1) * 128
             + lax.broadcasted_iota(jnp.int32, (B, SR, 128), 2))

    XYZ = xyz_ref[...]

    def red2(x, fn):
        return fn(fn(x, axis=-2, keepdims=True), axis=-1, keepdims=True)

    def body(i, carry):
        dists, far, inds, nxx, nxy, nxz = carry
        m = niota == far
        cxyz = red2(jnp.where(m[None], XYZ, 0.0), jnp.sum)
        cx = cxyz[0]
        cy = cxyz[1]
        cz = cxyz[2]
        smi = (siota == i).astype(jnp.int32)
        smf = smi.astype(jnp.float32)
        inds = inds + smi * far
        nxx = nxx + smf * cx
        nxy = nxy + smf * cy
        nxz = nxz + smf * cz
        d = (X - cx) ** 2 + (Y - cy) ** 2 + (Z - cz) ** 2
        dists = jnp.minimum(dists, d)
        mx = red2(dists, jnp.max)
        c = (dists == mx).astype(jnp.int32)
        far = red2(N + c * (niota - N), jnp.min)
        return dists, far, inds, nxx, nxy, nxz

    zi = (niota[:, :SR] + siota) >> 31
    zf = zi.astype(jnp.float32)
    init = (
        (niota >> 31).astype(jnp.float32) + 1e10,
        niota[:, :1, :1] >> 31,
        zi,
        zf,
        zf,
        zf,
    )
    _, _, inds, nxx, nxy, nxz = lax.fori_loop(0, S, body, init)
    inds_ref[...] = inds
    nx_ref[0] = nxx
    nx_ref[1] = nxy
    nx_ref[2] = nxz


def _run_fps(xyz_t4):
    return pl.pallas_call(
        _fps_body,
        out_shape=[
            jax.ShapeDtypeStruct((B, SR, 128), jnp.int32),
            jax.ShapeDtypeStruct((3, B, SR, 128), jnp.float32),
        ],
    )(xyz_t4)


TS = 128


def _bq_body(xyz_ref, nx_ref, out_ref):
    b = pl.program_id(0)
    X = xyz_ref[0, 0:1, :]
    Y = xyz_ref[0, 1:2, :]
    Z = xyz_ref[0, 2:3, :]
    cx = nx_ref[0, :, 0:1]
    cy = nx_ref[0, :, 1:2]
    cz = nx_ref[0, :, 2:3]
    c2 = cx * cx + cy * cy + cz * cz
    x2 = X * X + Y * Y + Z * Z
    e = jnp.dot(nx_ref[0], xyz_ref[0],
                preferred_element_type=jnp.float32)
    d = (c2 + x2) - 2.0 * e
    niota = lax.broadcasted_iota(jnp.int32, (TS, N), 1).astype(jnp.float32)
    inr = (d <= R2).astype(jnp.float32)
    nf = jnp.float32(N)
    keyf = nf + inr * (niota - nf)
    goff = b * N

    def next_after(prevf):
        ph = prevf + 0.5
        t = ph - keyf
        tb = lax.bitcast_convert_type(t, jnp.int32)
        mb = jnp.min(tb, axis=1, keepdims=True)
        return ph - lax.bitcast_convert_type(mb, jnp.float32)

    cur = next_after(jnp.full((TS, 1), -1.0, jnp.float32))
    f0 = jnp.where(cur == nf, 0.0, cur)
    out_ref[0, :, 0:1] = f0.astype(jnp.int32) + goff
    prev = cur
    for k in range(1, NS):
        cand = next_after(prev)
        out_ref[0, :, k:k + 1] = (
            jnp.where(cand == nf, f0, cand).astype(jnp.int32) + goff)
        prev = cand


def _run_ball_query(xyz_bt, nx3):
    return pl.pallas_call(
        _bq_body,
        grid=(B, S // TS),
        in_specs=[
            pl.BlockSpec((1, 3, N), lambda b, st: (b, 0, 0)),
            pl.BlockSpec((1, TS, 3), lambda b, st: (b, st, 0)),
        ],
        out_specs=pl.BlockSpec((1, TS, NS), lambda b, st: (b, st, 0)),
        out_shape=jax.ShapeDtypeStruct((B, S, NS), jnp.int32),
    )(xyz_bt, nx3)


def _sc_gather_body(tf_hbm, idx_hbm, out_hbm, idx_v, rows_v, sem):
    wid = lax.axis_index("s") * NC + lax.axis_index("c")
    pltpu.sync_copy(idx_hbm.at[wid], idx_v)
    descs = []
    for c in range(NCHUNK):
        descs.append(
            pltpu.async_copy(
                tf_hbm.at[idx_v.at[c]],
                rows_v.at[pl.ds(c * GCH, GCH)],
                sem,
            )
        )
    for d in descs:
        d.wait()
    pltpu.sync_copy(rows_v, out_hbm.at[pl.ds(wid * RPW, RPW)])


def _run_sc_gather(tf, idx3):
    mesh = plsc.VectorSubcoreMesh(core_axis_name="c", subcore_axis_name="s")
    k = pl.kernel(
        _sc_gather_body,
        out_type=jax.ShapeDtypeStruct((ROWS, CPAD), jnp.float32),
        mesh=mesh,
        scratch_types=[
            pltpu.VMEM((NCHUNK, GCH), jnp.int32),
            pltpu.VMEM((RPW, CPAD), jnp.float32),
            pltpu.SemaphoreType.DMA,
        ],
        compiler_params=pltpu.CompilerParams(use_tc_tiling_on_sc=False),
    )
    return k(tf, idx3)


CH = 8192
NCH = ROWS // CH


def _d1_body(g_ref, nx_ref, w_ref, z_ref, s_ref, q_ref):
    i = pl.program_id(0)
    dg = g_ref[...] - nx_ref[...]
    z = jnp.dot(dg, w_ref[...], preferred_element_type=jnp.float32)
    z_ref[...] = z

    @pl.when(i == 0)
    def _():
        s_ref[...] = jnp.zeros_like(s_ref)
        q_ref[...] = jnp.zeros_like(q_ref)

    s_ref[...] += jnp.sum(z, axis=0, keepdims=True)
    q_ref[...] += jnp.sum(z * z, axis=0, keepdims=True)


def _run_d1(g, nxrep, w0et):
    return pl.pallas_call(
        _d1_body,
        grid=(NCH,),
        in_specs=[
            pl.BlockSpec((CH, CPAD), lambda i: (i, 0)),
            pl.BlockSpec((CH, CPAD), lambda i: (i, 0)),
            pl.BlockSpec((CPAD, 32), lambda i: (0, 0)),
        ],
        out_specs=[
            pl.BlockSpec((CH, 32), lambda i: (i, 0)),
            pl.BlockSpec((1, 32), lambda i: (0, 0)),
            pl.BlockSpec((1, 32), lambda i: (0, 0)),
        ],
        out_shape=[
            jax.ShapeDtypeStruct((ROWS, 32), jnp.float32),
            jax.ShapeDtypeStruct((1, 32), jnp.float32),
            jax.ShapeDtypeStruct((1, 32), jnp.float32),
        ],
    )(g, nxrep, w0et)


def _d2_body(z_ref, a_ref, c_ref, w_ref, z1_ref, s_ref, q_ref):
    i = pl.program_id(0)
    x = jnp.maximum(z_ref[...] * a_ref[...] + c_ref[...], 0.0)
    z1 = jnp.dot(x, w_ref[...], preferred_element_type=jnp.float32)
    z1_ref[...] = z1

    @pl.when(i == 0)
    def _():
        s_ref[...] = jnp.zeros_like(s_ref)
        q_ref[...] = jnp.zeros_like(q_ref)

    s_ref[...] += jnp.sum(z1, axis=0, keepdims=True)
    q_ref[...] += jnp.sum(z1 * z1, axis=0, keepdims=True)


def _run_d2(z0, a0, c0, w1t):
    return pl.pallas_call(
        _d2_body,
        grid=(NCH,),
        in_specs=[
            pl.BlockSpec((CH, 32), lambda i: (i, 0)),
            pl.BlockSpec((1, 32), lambda i: (0, 0)),
            pl.BlockSpec((1, 32), lambda i: (0, 0)),
            pl.BlockSpec((32, 64), lambda i: (0, 0)),
        ],
        out_specs=[
            pl.BlockSpec((CH, 64), lambda i: (i, 0)),
            pl.BlockSpec((1, 64), lambda i: (0, 0)),
            pl.BlockSpec((1, 64), lambda i: (0, 0)),
        ],
        out_shape=[
            jax.ShapeDtypeStruct((ROWS, 64), jnp.float32),
            jax.ShapeDtypeStruct((1, 64), jnp.float32),
            jax.ShapeDtypeStruct((1, 64), jnp.float32),
        ],
    )(z0, a0, c0, w1t)


def _d3_body(z_ref, a_ref, c_ref, o_ref):
    x = jnp.maximum(z_ref[...] * a_ref[...] + c_ref[...], 0.0)
    o_ref[...] = jnp.max(x, axis=1)


SCH = CH // NS


def _run_d3(z1g, a1, c1):
    return pl.pallas_call(
        _d3_body,
        grid=(NCH,),
        in_specs=[
            pl.BlockSpec((SCH, NS, 64), lambda i: (i, 0, 0)),
            pl.BlockSpec((1, 1, 64), lambda i: (0, 0, 0)),
            pl.BlockSpec((1, 1, 64), lambda i: (0, 0, 0)),
        ],
        out_specs=pl.BlockSpec((SCH, 64), lambda i: (i, 0)),
        out_shape=jax.ShapeDtypeStruct((B * S, 64), jnp.float32),
    )(z1g, a1, c1)


def _bn_coeffs(s, q, g, b, n):
    mean = s / n
    var = q / n - mean * mean
    a = g / jnp.sqrt(var + 1e-5)
    c = b - mean * a
    return a, c


@jax.jit
def kernel(xyz, features, W0, g0, b0, W1, g1, b1):
    xyz_t4 = jnp.transpose(xyz, (2, 0, 1)).reshape(3, B, NR, 128)
    inds4, nx4 = _run_fps(xyz_t4)
    inds = inds4.reshape(B, S)
    nx3 = jnp.transpose(nx4.reshape(3, B, S), (1, 2, 0))

    idx = _run_ball_query(jnp.transpose(xyz, (0, 2, 1)), nx3)
    idx3 = idx.reshape(NW, NCHUNK, GCH)

    table = jnp.concatenate(
        [xyz, features, jnp.zeros((B, N, CPAD - 3 - features.shape[-1]), jnp.float32)],
        axis=-1,
    ).reshape(B * N, CPAD)
    g = _run_sc_gather(table, idx3)

    nxrep = jnp.concatenate(
        [nx3, jnp.zeros((B, S, CPAD - 3), jnp.float32)], axis=-1
    )
    nxrep = jnp.broadcast_to(nxrep[:, :, None, :], (B, S, NS, CPAD)).reshape(
        ROWS, CPAD
    )

    w0et = jnp.zeros((CPAD, 32), jnp.float32).at[: W0.shape[1], :].set(W0.T)
    z0, s0, q0 = _run_d1(g, nxrep, w0et)
    a0, c0 = _bn_coeffs(s0, q0, g0[None, :], b0[None, :], float(ROWS))

    z1, s1, q1 = _run_d2(z0, a0, c0, W1.T)
    a1, c1 = _bn_coeffs(s1, q1, g1[None, :], b1[None, :], float(ROWS))

    pooled = _run_d3(z1.reshape(B * S, NS, 64), a1[:, None, :], c1[:, None, :])

    new_xyz = nx3
    new_features = jnp.transpose(pooled.reshape(B, S, 64), (0, 2, 1))
    return new_xyz, new_features, inds.astype(jnp.int32)

# --- scband reference (transcript-rebuilt; emitter-appended) ---
"""Pipeline reference for scband-pointnet-samodule-base-81037442941231 (READ-ONLY COPY).

The authoritative reference and input builder live on the scoring server;
editing this copy changes nothing except your own understanding.
"""

import jax, jax.numpy as jnp
import numpy as np

NPOINT = 512
RADIUS = 0.2
NSAMPLE = 32


def fps(xyz, npoint):
    B, N, _ = xyz.shape
    def body(i, state):
        dists, farthest, inds = state
        inds = inds.at[:, i].set(farthest)
        centroid = jnp.take_along_axis(xyz, farthest[:, None, None], axis=1)
        d = jnp.sum((xyz - centroid) ** 2, axis=-1)
        dists = jnp.minimum(dists, d)
        farthest = jnp.argmax(dists, axis=-1).astype(jnp.int32)
        return (dists, farthest, inds)
    init = (jnp.full((B, N), 1e10, jnp.float32),
            jnp.zeros((B,), jnp.int32),
            jnp.zeros((B, npoint), jnp.int32))
    _, _, inds = jax.lax.fori_loop(0, npoint, body, init)
    return inds


def ball_query(radius, nsample, xyz, new_xyz):
    B, N, _ = xyz.shape
    S = new_xyz.shape[1]
    sqr = (jnp.sum(new_xyz ** 2, axis=-1)[:, :, None]
           + jnp.sum(xyz ** 2, axis=-1)[:, None, :]
           - 2.0 * jnp.einsum('bsd,bnd->bsn', new_xyz, xyz))
    idx = jnp.broadcast_to(jnp.arange(N, dtype=jnp.int32), (B, S, N))
    idx = jnp.where(sqr > radius * radius, N, idx)
    idx = jnp.sort(idx, axis=-1)[:, :, :nsample]
    first = idx[:, :, :1]
    idx = jnp.where(idx == N, jnp.broadcast_to(first, idx.shape), idx)
    idx = jnp.where(idx == N, 0, idx)
    return idx


def shared_mlp(x, params):
    # x: (B, C_in, S, nsample); 1x1 conv + BN(train stats) + ReLU per layer
    for (W, g, b) in params:
        x = jnp.einsum('oi,bisn->bosn', W, x)
        mean = jnp.mean(x, axis=(0, 2, 3), keepdims=True)
        var = jnp.var(x, axis=(0, 2, 3), keepdims=True)
        x = (x - mean) / jnp.sqrt(var + 1e-5)
        x = x * g.reshape(1, -1, 1, 1) + b.reshape(1, -1, 1, 1)
        x = jax.nn.relu(x)
    return x


def setup_inputs(seed: int = 0):
    key = jax.random.key(seed)
    ks = jax.random.split(key, 8)
    B, N, C = 4, 8192, 16
    xyz = jax.random.uniform(ks[0], (B, N, 3), dtype=jnp.float32)
    features = jax.random.normal(ks[1], (B, N, C), dtype=jnp.float32)
    W0 = jax.random.normal(ks[2], (32, C + 3), dtype=jnp.float32) * 0.1
    g0 = jnp.ones((32,), jnp.float32)
    b0 = jnp.zeros((32,), jnp.float32)
    W1 = jax.random.normal(ks[3], (64, 32), dtype=jnp.float32) * 0.1
    g1 = jnp.ones((64,), jnp.float32)
    b1 = jnp.zeros((64,), jnp.float32)
    return {"xyz": xyz, "features": features, "W0": W0, "g0": g0, "b0": b0,
            "W1": W1, "g1": g1, "b1": b1}


def reference(xyz, features, W0, g0, b0, W1, g1, b1):
    B = xyz.shape[0]
    inds = fps(xyz, NPOINT)                                   # (B, npoint) int32
    new_xyz = jnp.take_along_axis(xyz, inds[:, :, None], axis=1)  # (B, npoint, 3)
    idx = ball_query(RADIUS, NSAMPLE, xyz, new_xyz)           # (B, npoint, nsample)
    bi = jnp.arange(B)[:, None, None]
    grouped_xyz = xyz[bi, idx] - new_xyz[:, :, None, :]       # (B, S, ns, 3)
    grouped_f = features[bi, idx]                             # (B, S, ns, C)
    nf = jnp.concatenate([grouped_xyz, grouped_f], axis=-1)   # use_xyz=True
    nf = jnp.transpose(nf, (0, 3, 1, 2))                      # (B, 3+C, S, ns)
    nf = shared_mlp(nf, [(W0, g0, b0), (W1, g1, b1)])
    new_features = jnp.max(nf, axis=3)                        # max-pool over nsample
    return (new_xyz, new_features, inds)

if __name__ == "__main__":
    import jax
    _d = setup_inputs()
    print(jax.jit(kernel)(*tuple(_d.values())))

</pallas_src>

<mosaic_0001>
#map = affine_map<(d0, d1) -> (0, 0)>
#map1 = affine_map<(d0, d1) -> (0, 0, 0)>
module attributes {stable_mosaic.version = 14 : i64} {
  func.func @_sc_gather_body(%arg0: i32, %arg1: i32, %arg2: memref<32768x32xf32, #tpu.memory_space<hbm>>, %arg3: memref<32x16x128xi32, #tpu.memory_space<hbm>>, %arg4: memref<65536x32xf32, #tpu.memory_space<hbm>>, %arg5: memref<16x128xi32, #tpu.memory_space<vmem>>, %arg6: memref<2048x32xf32, #tpu.memory_space<vmem>>, %arg7: memref<!tpu.dma_semaphore, #tpu.memory_space<semaphore_mem>>) attributes {dimension_semantics = [#tpu.dimension_semantics<core_parallel>, #tpu.dimension_semantics<subcore_parallel>], iteration_bounds = array<i64: 2, 16>, scalar_prefetch = 0 : i64, scratch_operands = 3 : i64, tpu.core_type = #tpu.core_type<sc_vector_subcore>, window_params = [{transform_indices = #map}, {transform_indices = #map1}, {transform_indices = #map}]} {
    %mul3A = arith.constant 2 : i32
    %mul3A_0 = arith.muli %arg1, %mul3A : i32
    %add3A = arith.addi %mul3A_0, %arg0 : i32
    "tpu.region"() ({
      %run_scoped3A = tpu.sem_alloc : memref<!tpu.dma_semaphore, #tpu.memory_space<semaphore_mem>>
      %dma_start3A_321 = arith.constant 0 : i32
      %dma_start3A_322 = arith.constant 0 : i32
      %dma_start3A_323 = tpu.memref_slice %arg3[%add3A, %dma_start3A_321, %dma_start3A_322] : memref<32x16x128xi32, #tpu.memory_space<hbm>> -> memref<1x16x128xi32, #tpu.memory_space<hbm>>
      %dma_start3A_324 = tpu.memref_squeeze %dma_start3A_323 : memref<1x16x128xi32, #tpu.memory_space<hbm>> -> memref<16x128xi32, #tpu.memory_space<hbm>>
      %dma_start3A_325 = arith.constant 0 : i32
      %dma_start3A_326 = arith.constant 0 : i32
      %dma_start3A_327 = tpu.memref_slice %arg3[%add3A, %dma_start3A_325, %dma_start3A_326] : memref<32x16x128xi32, #tpu.memory_space<hbm>> -> memref<1x16x128xi32, #tpu.memory_space<hbm>>
      %dma_start3A_328 = tpu.memref_squeeze %dma_start3A_327 : memref<1x16x128xi32, #tpu.memory_space<hbm>> -> memref<16x128xi32, #tpu.memory_space<hbm>>
      tpu.enqueue_dma source(%dma_start3A_328 : memref<16x128xi32, #tpu.memory_space<hbm>>) target(%arg5 : memref<16x128xi32, #tpu.memory_space<vmem>>) target_semaphore(%run_scoped3A : memref<!tpu.dma_semaphore, #tpu.memory_space<semaphore_mem>>)
      %dma_wait3A_329 = arith.constant 0 : i32
      %dma_wait3A_330 = arith.constant 0 : i32
      %dma_wait3A_331 = tpu.memref_slice %arg3[%add3A, %dma_wait3A_329, %dma_wait3A_330] : memref<32x16x128xi32, #tpu.memory_space<hbm>> -> memref<1x16x128xi32, #tpu.memory_space<hbm>>
      %dma_wait3A_332 = tpu.memref_squeeze %dma_wait3A_331 : memref<1x16x128xi32, #tpu.memory_space<hbm>> -> memref<16x128xi32, #tpu.memory_space<hbm>>
      %dma_wait3A_333 = arith.constant 0 : i32
      %dma_wait3A_334 = arith.constant 0 : i32
      %dma_wait3A_335 = tpu.memref_slice %arg3[%add3A, %dma_wait3A_333, %dma_wait3A_334] : memref<32x16x128xi32, #tpu.memory_space<hbm>> -> memref<1x16x128xi32, #tpu.memory_space<hbm>>
      %dma_wait3A_336 = tpu.memref_squeeze %dma_wait3A_335 : memref<1x16x128xi32, #tpu.memory_space<hbm>> -> memref<16x128xi32, #tpu.memory_space<hbm>>
      tpu.wait_dma2 semaphore(%run_scoped3A : memref<!tpu.dma_semaphore, #tpu.memory_space<semaphore_mem>>) src(%dma_wait3A_336 : memref<16x128xi32, #tpu.memory_space<hbm>>) dst(%arg5 : memref<16x128xi32, #tpu.memory_space<vmem>>)
      tpu.yield
    }) : () -> ()
    %dma_start3A = arith.constant 0 : i32
    %dma_start3A_1 = arith.constant 0 : i32
    %dma_start3A_2 = arith.constant 0 : i32
    %dma_start3A_3 = tpu.memref_slice %arg6[%dma_start3A_1, %dma_start3A_2] : memref<2048x32xf32, #tpu.memory_space<vmem>> -> memref<128x32xf32, #tpu.memory_space<vmem>>
    %dma_start3A_4 = arith.constant 0 : i32
    %dma_start3A_5 = tpu.memref_slice %arg5[%dma_start3A, %dma_start3A_4] : memref<16x128xi32, #tpu.memory_space<vmem>> -> memref<1x128xi32, #tpu.memory_space<vmem>>
    %dma_start3A_6 = tpu.memref_squeeze %dma_start3A_5 : memref<1x128xi32, #tpu.memory_space<vmem>> -> memref<128xi32, #tpu.memory_space<vmem>>
    %dma_start3A_7 = arith.constant 0 : i32
    %dma_start3A_8 = arith.constant 0 : i32
    %dma_start3A_9 = tpu.memref_slice %arg2[%dma_start3A_7, %dma_start3A_8] : memref<32768x32xf32, #tpu.memory_space<hbm>> -> memref<32768x32xf32, #tpu.memory_space<hbm>>
    tpu.enqueue_indirect_dma source(%dma_start3A_9 : memref<32768x32xf32, #tpu.memory_space<hbm>>) target(%dma_start3A_3 : memref<128x32xf32, #tpu.memory_space<vmem>>) offsets(%dma_start3A_6 : memref<128xi32, #tpu.memory_space<vmem>>) semaphore(%arg7 : memref<!tpu.dma_semaphore, #tpu.memory_space<semaphore_mem>>)
    %dma_start3A_10 = arith.constant 1 : i32
    %dma_start3A_11 = arith.constant 128 : i32
    %dma_start3A_12 = arith.constant 0 : i32
    %dma_start3A_13 = tpu.memref_slice %arg6[%dma_start3A_11, %dma_start3A_12] : memref<2048x32xf32, #tpu.memory_space<vmem>> -> memref<128x32xf32, #tpu.memory_space<vmem>>
    %dma_start3A_14 = arith.constant 0 : i32
    %dma_start3A_15 = tpu.memref_slice %arg5[%dma_start3A_10, %dma_start3A_14] : memref<16x128xi32, #tpu.memory_space<vmem>> -> memref<1x128xi32, #tpu.memory_space<vmem>>
    %dma_start3A_16 = tpu.memref_squeeze %dma_start3A_15 : memref<1x128xi32, #tpu.memory_space<vmem>> -> memref<128xi32, #tpu.memory_space<vmem>>
    %dma_start3A_17 = arith.constant 0 : i32
    %dma_start3A_18 = arith.constant 0 : i32
    %dma_start3A_19 = tpu.memref_slice %arg2[%dma_start3A_17, %dma_start3A_18] : memref<32768x32xf32, #tpu.memory_space<hbm>> -> memref<32768x32xf32, #tpu.memory_space<hbm>>
    tpu.enqueue_indirect_dma source(%dma_start3A_19 : memref<32768x32xf32, #tpu.memory_space<hbm>>) target(%dma_start3A_13 : memref<128x32xf32, #tpu.memory_space<vmem>>) offsets(%dma_start3A_16 : memref<128xi32, #tpu.memory_space<vmem>>) semaphore(%arg7 : memref<!tpu.dma_semaphore, #tpu.memory_space<semaphore_mem>>)
    %dma_start3A_20 = arith.constant 2 : i32
    %dma_start3A_21 = arith.constant 256 : i32
    %dma_start3A_22 = arith.constant 0 : i32
    %dma_start3A_23 = tpu.memref_slice %arg6[%dma_start3A_21, %dma_start3A_22] : memref<2048x32xf32, #tpu.memory_space<vmem>> -> memref<128x32xf32, #tpu.memory_space<vmem>>
    %dma_start3A_24 = arith.constant 0 : i32
    %dma_start3A_25 = tpu.memref_slice %arg5[%dma_start3A_20, %dma_start3A_24] : memref<16x128xi32, #tpu.memory_space<vmem>> -> memref<1x128xi32, #tpu.memory_space<vmem>>
    %dma_start3A_26 = tpu.memref_squeeze %dma_start3A_25 : memref<1x128xi32, #tpu.memory_space<vmem>> -> memref<128xi32, #tpu.memory_space<vmem>>
    %dma_start3A_27 = arith.constant 0 : i32
    %dma_start3A_28 = arith.constant 0 : i32
    %dma_start3A_29 = tpu.memref_slice %arg2[%dma_start3A_27, %dma_start3A_28] : memref<32768x32xf32, #tpu.memory_space<hbm>> -> memref<32768x32xf32, #tpu.memory_space<hbm>>
    tpu.enqueue_indirect_dma source(%dma_start3A_29 : memref<32768x32xf32, #tpu.memory_space<hbm>>) target(%dma_start3A_23 : memref<128x32xf32, #tpu.memory_space<vmem>>) offsets(%dma_start3A_26 : memref<128xi32, #tpu.memory_space<vmem>>) semaphore(%arg7 : memref<!tpu.dma_semaphore, #tpu.memory_space<semaphore_mem>>)
    %dma_start3A_30 = arith.constant 3 : i32
    %dma_start3A_31 = arith.constant 384 : i32
    %dma_start3A_32 = arith.constant 0 : i32
    %dma_start3A_33 = tpu.memref_slice %arg6[%dma_start3A_31, %dma_start3A_32] : memref<2048x32xf32, #tpu.memory_space<vmem>> -> memref<128x32xf32, #tpu.memory_space<vmem>>
    %dma_start3A_34 = arith.constant 0 : i32
    %dma_start3A_35 = tpu.memref_slice %arg5[%dma_start3A_30, %dma_start3A_34] : memref<16x128xi32, #tpu.memory_space<vmem>> -> memref<1x128xi32, #tpu.memory_space<vmem>>
    %dma_start3A_36 = tpu.memref_squeeze %dma_start3A_35 : memref<1x128xi32, #tpu.memory_space<vmem>> -> memref<128xi32, #tpu.memory_space<vmem>>
    %dma_start3A_37 = arith.constant 0 : i32
    %dma_start3A_38 = arith.constant 0 : i32
    %dma_start3A_39 = tpu.memref_slice %arg2[%dma_start3A_37, %dma_start3A_38] : memref<32768x32xf32, #tpu.memory_space<hbm>> -> memref<32768x32xf32, #tpu.memory_space<hbm>>
    tpu.enqueue_indirect_dma source(%dma_start3A_39 : memref<32768x32xf32, #tpu.memory_space<hbm>>) target(%dma_start3A_33 : memref<128x32xf32, #tpu.memory_space<vmem>>) offsets(%dma_start3A_36 : memref<128xi32, #tpu.memory_space<vmem>>) semaphore(%arg7 : memref<!tpu.dma_semaphore, #tpu.memory_space<semaphore_mem>>)
    %dma_start3A_40 = arith.constant 4 : i32
    %dma_start3A_41 = arith.constant 512 : i32
    %dma_start3A_42 = arith.constant 0 : i32
    %dma_start3A_43 = tpu.memref_slice %arg6[%dma_start3A_41, %dma_start3A_42] : memref<2048x32xf32, #tpu.memory_space<vmem>> -> memref<128x32xf32, #tpu.memory_space<vmem>>
    %dma_start3A_44 = arith.constant 0 : i32
    %dma_start3A_45 = tpu.memref_slice %arg5[%dma_start3A_40, %dma_start3A_44] : memref<16x128xi32, #tpu.memory_space<vmem>> -> memref<1x128xi32, #tpu.memory_space<vmem>>
    %dma_start3A_46 = tpu.memref_squeeze %dma_start3A_45 : memref<1x128xi32, #tpu.memory_space<vmem>> -> memref<128xi32, #tpu.memory_space<vmem>>
    %dma_start3A_47 = arith.constant 0 : i32
    %dma_start3A_48 = arith.constant 0 : i32
    %dma_start3A_49 = tpu.memref_slice %arg2[%dma_start3A_47, %dma_start3A_48] : memref<32768x32xf32, #tpu.memory_space<hbm>> -> memref<32768x32xf32, #tpu.memory_space<hbm>>
    tpu.enqueue_indirect_dma source(%dma_start3A_49 : memref<32768x32xf32, #tpu.memory_space<hbm>>) target(%dma_start3A_43 : memref<128x32xf32, #tpu.memory_space<vmem>>) offsets(%dma_start3A_46 : memref<128xi32, #tpu.memory_space<vmem>>) semaphore(%arg7 : memref<!tpu.dma_semaphore, #tpu.memory_space<semaphore_mem>>)
    %dma_start3A_50 = arith.constant 5 : i32
    %dma_start3A_51 = arith.constant 640 : i32
    %dma_start3A_52 = arith.constant 0 : i32
    %dma_start3A_53 = tpu.memref_slice %arg6[%dma_start3A_51, %dma_start3A_52] : memref<2048x32xf32, #tpu.memory_space<vmem>> -> memref<128x32xf32, #tpu.memory_space<vmem>>
    %dma_start3A_54 = arith.constant 0 : i32
    %dma_start3A_55 = tpu.memref_slice %arg5[%dma_start3A_50, %dma_start3A_54] : memref<16x128xi32, #tpu.memory_space<vmem>> -> memref<1x128xi32, #tpu.memory_space<vmem>>
    %dma_start3A_56 = tpu.memref_squeeze %dma_start3A_55 : memref<1x128xi32, #tpu.memory_space<vmem>> -> memref<128xi32, #tpu.memory_space<vmem>>
    %dma_start3A_57 = arith.constant 0 : i32
    %dma_start3A_58 = arith.constant 0 : i32
    %dma_start3A_59 = tpu.memref_slice %arg2[%dma_start3A_57, %dma_start3A_58] : memref<32768x32xf32, #tpu.memory_space<hbm>> -> memref<32768x32xf32, #tpu.memory_space<hbm>>
    tpu.enqueue_indirect_dma source(%dma_start3A_59 : memref<32768x32xf32, #tpu.memory_space<hbm>>) target(%dma_start3A_53 : memref<128x32xf32, #tpu.memory_space<vmem>>) offsets(%dma_start3A_56 : memref<128xi32, #tpu.memory_space<vmem>>) semaphore(%arg7 : memref<!tpu.dma_semaphore, #tpu.memory_space<semaphore_mem>>)
    %dma_start3A_60 = arith.constant 6 : i32
    %dma_start3A_61 = arith.constant 768 : i32
    %dma_start3A_62 = arith.constant 0 : i32
    %dma_start3A_63 = tpu.memref_slice %arg6[%dma_start3A_61, %dma_start3A_62] : memref<2048x32xf32, #tpu.memory_space<vmem>> -> memref<128x32xf32, #tpu.memory_space<vmem>>
    %dma_start3A_64 = arith.constant 0 : i32
    %dma_start3A_65 = tpu.memref_slice %arg5[%dma_start3A_60, %dma_start3A_64] : memref<16x128xi32, #tpu.memory_space<vmem>> -> memref<1x128xi32, #tpu.memory_space<vmem>>
    %dma_start3A_66 = tpu.memref_squeeze %dma_start3A_65 : memref<1x128xi32, #tpu.memory_space<vmem>> -> memref<128xi32, #tpu.memory_space<vmem>>
    %dma_start3A_67 = arith.constant 0 : i32
    %dma_start3A_68 = arith.constant 0 : i32
    %dma_start3A_69 = tpu.memref_slice %arg2[%dma_start3A_67, %dma_start3A_68] : memref<32768x32xf32, #tpu.memory_space<hbm>> -> memref<32768x32xf32, #tpu.memory_space<hbm>>
    tpu.enqueue_indirect_dma source(%dma_start3A_69 : memref<32768x32xf32, #tpu.memory_space<hbm>>) target(%dma_start3A_63 : memref<128x32xf32, #tpu.memory_space<vmem>>) offsets(%dma_start3A_66 : memref<128xi32, #tpu.memory_space<vmem>>) semaphore(%arg7 : memref<!tpu.dma_semaphore, #tpu.memory_space<semaphore_mem>>)
    %dma_start3A_70 = arith.constant 7 : i32
    %dma_start3A_71 = arith.constant 896 : i32
    %dma_start3A_72 = arith.constant 0 : i32
    %dma_start3A_73 = tpu.memref_slice %arg6[%dma_start3A_71, %dma_start3A_72] : memref<2048x32xf32, #tpu.memory_space<vmem>> -> memref<128x32xf32, #tpu.memory_space<vmem>>
    %dma_start3A_74 = arith.constant 0 : i32
    %dma_start3A_75 = tpu.memref_slice %arg5[%dma_start3A_70, %dma_start3A_74] : memref<16x128xi32, #tpu.memory_space<vmem>> -> memref<1x128xi32, #tpu.memory_space<vmem>>
    %dma_start3A_76 = tpu.memref_squeeze %dma_start3A_75 : memref<1x128xi32, #tpu.memory_space<vmem>> -> memref<128xi32, #tpu.memory_space<vmem>>
    %dma_start3A_77 = arith.constant 0 : i32
    %dma_start3A_78 = arith.constant 0 : i32
    %dma_start3A_79 = tpu.memref_slice %arg2[%dma_start3A_77, %dma_start3A_78] : memref<32768x32xf32, #tpu.memory_space<hbm>> -> memref<32768x32xf32, #tpu.memory_space<hbm>>
    tpu.enqueue_indirect_dma source(%dma_start3A_79 : memref<32768x32xf32, #tpu.memory_space<hbm>>) target(%dma_start3A_73 : memref<128x32xf32, #tpu.memory_space<vmem>>) offsets(%dma_start3A_76 : memref<128xi32, #tpu.memory_space<vmem>>) semaphore(%arg7 : memref<!tpu.dma_semaphore, #tpu.memory_space<semaphore_mem>>)
    %dma_start3A_80 = arith.constant 8 : i32
    %dma_start3A_81 = arith.constant 1024 : i32
    %dma_start3A_82 = arith.constant 0 : i32
    %dma_start3A_83 = tpu.memref_slice %arg6[%dma_start3A_81, %dma_start3A_82] : memref<2048x32xf32, #tpu.memory_space<vmem>> -> memref<128x32xf32, #tpu.memory_space<vmem>>
    %dma_start3A_84 = arith.constant 0 : i32
    %dma_start3A_85 = tpu.memref_slice %arg5[%dma_start3A_80, %dma_start3A_84] : memref<16x128xi32, #tpu.memory_space<vmem>> -> memref<1x128xi32, #tpu.memory_space<vmem>>
    %dma_start3A_86 = tpu.memref_squeeze %dma_start3A_85 : memref<1x128xi32, #tpu.memory_space<vmem>> -> memref<128xi32, #tpu.memory_space<vmem>>
    %dma_start3A_87 = arith.constant 0 : i32
    %dma_start3A_88 = arith.constant 0 : i32
    %dma_start3A_89 = tpu.memref_slice %arg2[%dma_start3A_87, %dma_start3A_88] : memref<32768x32xf32, #tpu.memory_space<hbm>> -> memref<32768x32xf32, #tpu.memory_space<hbm>>
    tpu.enqueue_indirect_dma source(%dma_start3A_89 : memref<32768x32xf32, #tpu.memory_space<hbm>>) target(%dma_start3A_83 : memref<128x32xf32, #tpu.memory_space<vmem>>) offsets(%dma_start3A_86 : memref<128xi32, #tpu.memory_space<vmem>>) semaphore(%arg7 : memref<!tpu.dma_semaphore, #tpu.memory_space<semaphore_mem>>)
    %dma_start3A_90 = arith.constant 9 : i32
    %dma_start3A_91 = arith.constant 1152 : i32
    %dma_start3A_92 = arith.constant 0 : i32
    %dma_start3A_93 = tpu.memref_slice %arg6[%dma_start3A_91, %dma_start3A_92] : memref<2048x32xf32, #tpu.memory_space<vmem>> -> memref<128x32xf32, #tpu.memory_space<vmem>>
    %dma_start3A_94 = arith.constant 0 : i32
    %dma_start3A_95 = tpu.memref_slice %arg5[%dma_start3A_90, %dma_start3A_94] : memref<16x128xi32, #tpu.memory_space<vmem>> -> memref<1x128xi32, #tpu.memory_space<vmem>>
    %dma_start3A_96 = tpu.memref_squeeze %dma_start3A_95 : memref<1x128xi32, #tpu.memory_space<vmem>> -> memref<128xi32, #tpu.memory_space<vmem>>
    %dma_start3A_97 = arith.constant 0 : i32
    %dma_start3A_98 = arith.constant 0 : i32
    %dma_start3A_99 = tpu.memref_slice %arg2[%dma_start3A_97, %dma_start3A_98] : memref<32768x32xf32, #tpu.memory_space<hbm>> -> memref<32768x32xf32, #tpu.memory_space<hbm>>
    tpu.enqueue_indirect_dma source(%dma_start3A_99 : memref<32768x32xf32, #tpu.memory_space<hbm>>) target(%dma_start3A_93 : memref<128x32xf32, #tpu.memory_space<vmem>>) offsets(%dma_start3A_96 : memref<128xi32, #tpu.memory_space<vmem>>) semaphore(%arg7 : memref<!tpu.dma_semaphore, #tpu.memory_space<semaphore_mem>>)
    %dma_start3A_100 = arith.constant 10 : i32
    %dma_start3A_101 = arith.constant 1280 : i32
    %dma_start3A_102 = arith.constant 0 : i32
    %dma_start3A_103 = tpu.memref_slice %arg6[%dma_start3A_101, %dma_start3A_102] : memref<2048x32xf32, #tpu.memory_space<vmem>> -> memref<128x32xf32, #tpu.memory_space<vmem>>
    %dma_start3A_104 = arith.constant 0 : i32
    %dma_start3A_105 = tpu.memref_slice %arg5[%dma_start3A_100, %dma_start3A_104] : memref<16x128xi32, #tpu.memory_space<vmem>> -> memref<1x128xi32, #tpu.memory_space<vmem>>
    %dma_start3A_106 = tpu.memref_squeeze %dma_start3A_105 : memref<1x128xi32, #tpu.memory_space<vmem>> -> memref<128xi32, #tpu.memory_space<vmem>>
    %dma_start3A_107 = arith.constant 0 : i32
    %dma_start3A_108 = arith.constant 0 : i32
    %dma_start3A_109 = tpu.memref_slice %arg2[%dma_start3A_107, %dma_start3A_108] : memref<32768x32xf32, #tpu.memory_space<hbm>> -> memref<32768x32xf32, #tpu.memory_space<hbm>>
    tpu.enqueue_indirect_dma source(%dma_start3A_109 : memref<32768x32xf32, #tpu.memory_space<hbm>>) target(%dma_start3A_103 : memref<128x32xf32, #tpu.memory_space<vmem>>) offsets(%dma_start3A_106 : memref<128xi32, #tpu.memory_space<vmem>>) semaphore(%arg7 : memref<!tpu.dma_semaphore, #tpu.memory_space<semaphore_mem>>)
    %dma_start3A_110 = arith.constant 11 : i32
    %dma_start3A_111 = arith.constant 1408 : i32
    %dma_start3A_112 = arith.constant 0 : i32
    %dma_start3A_113 = tpu.memref_slice %arg6[%dma_start3A_111, %dma_start3A_112] : memref<2048x32xf32, #tpu.memory_space<vmem>> -> memref<128x32xf32, #tpu.memory_space<vmem>>
    %dma_start3A_114 = arith.constant 0 : i32
    %dma_start3A_115 = tpu.memref_slice %arg5[%dma_start3A_110, %dma_start3A_114] : memref<16x128xi32, #tpu.memory_space<vmem>> -> memref<1x128xi32, #tpu.memory_space<vmem>>
    %dma_start3A_116 = tpu.memref_squeeze %dma_start3A_115 : memref<1x128xi32, #tpu.memory_space<vmem>> -> memref<128xi32, #tpu.memory_space<vmem>>
    %dma_start3A_117 = arith.constant 0 : i32
    %dma_start3A_118 = arith.constant 0 : i32
    %dma_start3A_119 = tpu.memref_slice %arg2[%dma_start3A_117, %dma_start3A_118] : memref<32768x32xf32, #tpu.memory_space<hbm>> -> memref<32768x32xf32, #tpu.memory_space<hbm>>
    tpu.enqueue_indirect_dma source(%dma_start3A_119 : memref<32768x32xf32, #tpu.memory_space<hbm>>) target(%dma_start3A_113 : memref<128x32xf32, #tpu.memory_space<vmem>>) offsets(%dma_start3A_116 : memref<128xi32, #tpu.memory_space<vmem>>) semaphore(%arg7 : memref<!tpu.dma_semaphore, #tpu.memory_space<semaphore_mem>>)
    %dma_start3A_120 = arith.constant 12 : i32
    %dma_start3A_121 = arith.constant 1536 : i32
    %dma_start3A_122 = arith.constant 0 : i32
    %dma_start3A_123 = tpu.memref_slice %arg6[%dma_start3A_121, %dma_start3A_122] : memref<2048x32xf32, #tpu.memory_space<vmem>> -> memref<128x32xf32, #tpu.memory_space<vmem>>
    %dma_start3A_124 = arith.constant 0 : i32
    %dma_start3A_125 = tpu.memref_slice %arg5[%dma_start3A_120, %dma_start3A_124] : memref<16x128xi32, #tpu.memory_space<vmem>> -> memref<1x128xi32, #tpu.memory_space<vmem>>
    %dma_start3A_126 = tpu.memref_squeeze %dma_start3A_125 : memref<1x128xi32, #tpu.memory_space<vmem>> -> memref<128xi32, #tpu.memory_space<vmem>>
    %dma_start3A_127 = arith.constant 0 : i32
    %dma_start3A_128 = arith.constant 0 : i32
    %dma_start3A_129 = tpu.memref_slice %arg2[%dma_start3A_127, %dma_start3A_128] : memref<32768x32xf32, #tpu.memory_space<hbm>> -> memref<32768x32xf32, #tpu.memory_space<hbm>>
    tpu.enqueue_indirect_dma source(%dma_start3A_129 : memref<32768x32xf32, #tpu.memory_space<hbm>>) target(%dma_start3A_123 : memref<128x32xf32, #tpu.memory_space<vmem>>) offsets(%dma_start3A_126 : memref<128xi32, #tpu.memory_space<vmem>>) semaphore(%arg7 : memref<!tpu.dma_semaphore, #tpu.memory_space<semaphore_mem>>)
    %dma_start3A_130 = arith.constant 13 : i32
    %dma_start3A_131 = arith.constant 1664 : i32
    %dma_start3A_132 = arith.constant 0 : i32
    %dma_start3A_133 = tpu.memref_slice %arg6[%dma_start3A_131, %dma_start3A_132] : memref<2048x32xf32, #tpu.memory_space<vmem>> -> memref<128x32xf32, #tpu.memory_space<vmem>>
    %dma_start3A_134 = arith.constant 0 : i32
    %dma_start3A_135 = tpu.memref_slice %arg5[%dma_start3A_130, %dma_start3A_134] : memref<16x128xi32, #tpu.memory_space<vmem>> -> memref<1x128xi32, #tpu.memory_space<vmem>>
    %dma_start3A_136 = tpu.memref_squeeze %dma_start3A_135 : memref<1x128xi32, #tpu.memory_space<vmem>> -> memref<128xi32, #tpu.memory_space<vmem>>
    %dma_start3A_137 = arith.constant 0 : i32
    %dma_start3A_138 = arith.constant 0 : i32
    %dma_start3A_139 = tpu.memref_slice %arg2[%dma_start3A_137, %dma_start3A_138] : memref<32768x32xf32, #tpu.memory_space<hbm>> -> memref<32768x32xf32, #tpu.memory_space<hbm>>
    tpu.enqueue_indirect_dma source(%dma_start3A_139 : memref<32768x32xf32, #tpu.memory_space<hbm>>) target(%dma_start3A_133 : memref<128x32xf32, #tpu.memory_space<vmem>>) offsets(%dma_start3A_136 : memref<128xi32, #tpu.memory_space<vmem>>) semaphore(%arg7 : memref<!tpu.dma_semaphore, #tpu.memory_space<semaphore_mem>>)
    %dma_start3A_140 = arith.constant 14 : i32
    %dma_start3A_141 = arith.constant 1792 : i32
    %dma_start3A_142 = arith.constant 0 : i32
    %dma_start3A_143 = tpu.memref_slice %arg6[%dma_start3A_141, %dma_start3A_142] : memref<2048x32xf32, #tpu.memory_space<vmem>> -> memref<128x32xf32, #tpu.memory_space<vmem>>
    %dma_start3A_144 = arith.constant 0 : i32
    %dma_start3A_145 = tpu.memref_slice %arg5[%dma_start3A_140, %dma_start3A_144] : memref<16x128xi32, #tpu.memory_space<vmem>> -> memref<1x128xi32, #tpu.memory_space<vmem>>
    %dma_start3A_146 = tpu.memref_squeeze %dma_start3A_145 : memref<1x128xi32, #tpu.memory_space<vmem>> -> memref<128xi32, #tpu.memory_space<vmem>>
    %dma_start3A_147 = arith.constant 0 : i32
    %dma_start3A_148 = arith.constant 0 : i32
    %dma_start3A_149 = tpu.memref_slice %arg2[%dma_start3A_147, %dma_start3A_148] : memref<32768x32xf32, #tpu.memory_space<hbm>> -> memref<32768x32xf32, #tpu.memory_space<hbm>>
    tpu.enqueue_indirect_dma source(%dma_start3A_149 : memref<32768x32xf32, #tpu.memory_space<hbm>>) target(%dma_start3A_143 : memref<128x32xf32, #tpu.memory_space<vmem>>) offsets(%dma_start3A_146 : memref<128xi32, #tpu.memory_space<vmem>>) semaphore(%arg7 : memref<!tpu.dma_semaphore, #tpu.memory_space<semaphore_mem>>)
    %dma_start3A_150 = arith.constant 15 : i32
    %dma_start3A_151 = arith.constant 1920 : i32
    %dma_start3A_152 = arith.constant 0 : i32
    %dma_start3A_153 = tpu.memref_slice %arg6[%dma_start3A_151, %dma_start3A_152] : memref<2048x32xf32, #tpu.memory_space<vmem>> -> memref<128x32xf32, #tpu.memory_space<vmem>>
    %dma_start3A_154 = arith.constant 0 : i32
    %dma_start3A_155 = tpu.memref_slice %arg5[%dma_start3A_150, %dma_start3A_154] : memref<16x128xi32, #tpu.memory_space<vmem>> -> memref<1x128xi32, #tpu.memory_space<vmem>>
    %dma_start3A_156 = tpu.memref_squeeze %dma_start3A_155 : memref<1x128xi32, #tpu.memory_space<vmem>> -> memref<128xi32, #tpu.memory_space<vmem>>
    %dma_start3A_157 = arith.constant 0 : i32
    %dma_start3A_158 = arith.constant 0 : i32
    %dma_start3A_159 = tpu.memref_slice %arg2[%dma_start3A_157, %dma_start3A_158] : memref<32768x32xf32, #tpu.memory_space<hbm>> -> memref<32768x32xf32, #tpu.memory_space<hbm>>
    tpu.enqueue_indirect_dma source(%dma_start3A_159 : memref<32768x32xf32, #tpu.memory_space<hbm>>) target(%dma_start3A_153 : memref<128x32xf32, #tpu.memory_space<vmem>>) offsets(%dma_start3A_156 : memref<128xi32, #tpu.memory_space<vmem>>) semaphore(%arg7 : memref<!tpu.dma_semaphore, #tpu.memory_space<semaphore_mem>>)
    %dma_wait3A = arith.constant 0 : i32
    %dma_wait3A_160 = arith.constant 0 : i32
    %dma_wait3A_161 = arith.constant 0 : i32
    %dma_wait3A_162 = tpu.memref_slice %arg6[%dma_wait3A_160, %dma_wait3A_161] : memref<2048x32xf32, #tpu.memory_space<vmem>> -> memref<128x32xf32, #tpu.memory_space<vmem>>
    %dma_wait3A_163 = arith.constant 0 : i32
    %dma_wait3A_164 = tpu.memref_slice %arg5[%dma_wait3A, %dma_wait3A_163] : memref<16x128xi32, #tpu.memory_space<vmem>> -> memref<1x128xi32, #tpu.memory_space<vmem>>
    %dma_wait3A_165 = tpu.memref_squeeze %dma_wait3A_164 : memref<1x128xi32, #tpu.memory_space<vmem>> -> memref<128xi32, #tpu.memory_space<vmem>>
    %dma_wait3A_166 = arith.constant 0 : i32
    %dma_wait3A_167 = arith.constant 0 : i32
    %dma_wait3A_168 = tpu.memref_slice %arg2[%dma_wait3A_166, %dma_wait3A_167] : memref<32768x32xf32, #tpu.memory_space<hbm>> -> memref<32768x32xf32, #tpu.memory_space<hbm>>
    tpu.wait_indirect_dma semaphore(%arg7 : memref<!tpu.dma_semaphore, #tpu.memory_space<semaphore_mem>>) src(%dma_wait3A_168 : memref<32768x32xf32, #tpu.memory_space<hbm>>) dst(%dma_wait3A_162 : memref<128x32xf32, #tpu.memory_space<vmem>>)
    %dma_wait3A_169 = arith.constant 1 : i32
    %dma_wait3A_170 = arith.constant 128 : i32
    %dma_wait3A_171 = arith.constant 0 : i32
    %dma_wait3A_172 = tpu.memref_slice %arg6[%dma_wait3A_170, %dma_wait3A_171] : memref<2048x32xf32, #tpu.memory_space<vmem>> -> memref<128x32xf32, #tpu.memory_space<vmem>>
    %dma_wait3A_173 = arith.constant 0 : i32
    %dma_wait3A_174 = tpu.memref_slice %arg5[%dma_wait3A_169, %dma_wait3A_173] : memref<16x128xi32, #tpu.memory_space<vmem>> -> memref<1x128xi32, #tpu.memory_space<vmem>>
    %dma_wait3A_175 = tpu.memref_squeeze %dma_wait3A_174 : memref<1x128xi32, #tpu.memory_space<vmem>> -> memref<128xi32, #tpu.memory_space<vmem>>
    %dma_wait3A_176 = arith.constant 0 : i32
    %dma_wait3A_177 = arith.constant 0 : i32
    %dma_wait3A_178 = tpu.memref_slice %arg2[%dma_wait3A_176, %dma_wait3A_177] : memref<32768x32xf32, #tpu.memory_space<hbm>> -> memref<32768x32xf32, #tpu.memory_space<hbm>>
    tpu.wait_indirect_dma semaphore(%arg7 : memref<!tpu.dma_semaphore, #tpu.memory_space<semaphore_mem>>) src(%dma_wait3A_178 : memref<32768x32xf32, #tpu.memory_space<hbm>>) dst(%dma_wait3A_172 : memref<128x32xf32, #tpu.memory_space<vmem>>)
    %dma_wait3A_179 = arith.constant 2 : i32
    %dma_wait3A_180 = arith.constant 256 : i32
    %dma_wait3A_181 = arith.constant 0 : i32
    %dma_wait3A_182 = tpu.memref_slice %arg6[%dma_wait3A_180, %dma_wait3A_181] : memref<2048x32xf32, #tpu.memory_space<vmem>> -> memref<128x32xf32, #tpu.memory_space<vmem>>
    %dma_wait3A_183 = arith.constant 0 : i32
    %dma_wait3A_184 = tpu.memref_slice %arg5[%dma_wait3A_179, %dma_wait3A_183] : memref<16x128xi32, #tpu.memory_space<vmem>> -> memref<1x128xi32, #tpu.memory_space<vmem>>
    %dma_wait3A_185 = tpu.memref_squeeze %dma_wait3A_184 : memref<1x128xi32, #tpu.memory_space<vmem>> -> memref<128xi32, #tpu.memory_space<vmem>>
    %dma_wait3A_186 = arith.constant 0 : i32
    %dma_wait3A_187 = arith.constant 0 : i32
    %dma_wait3A_188 = tpu.memref_slice %arg2[%dma_wait3A_186, %dma_wait3A_187] : memref<32768x32xf32, #tpu.memory_space<hbm>> -> memref<32768x32xf32, #tpu.memory_space<hbm>>
    tpu.wait_indirect_dma semaphore(%arg7 : memref<!tpu.dma_semaphore, #tpu.memory_space<semaphore_mem>>) src(%dma_wait3A_188 : memref<32768x32xf32, #tpu.memory_space<hbm>>) dst(%dma_wait3A_182 : memref<128x32xf32, #tpu.memory_space<vmem>>)
    %dma_wait3A_189 = arith.constant 3 : i32
    %dma_wait3A_190 = arith.constant 384 : i32
    %dma_wait3A_191 = arith.constant 0 : i32
    %dma_wait3A_192 = tpu.memref_slice %arg6[%dma_wait3A_190, %dma_wait3A_191] : memref<2048x32xf32, #tpu.memory_space<vmem>> -> memref<128x32xf32, #tpu.memory_space<vmem>>
    %dma_wait3A_193 = arith.constant 0 : i32
    %dma_wait3A_194 = tpu.memref_slice %arg5[%dma_wait3A_189, %dma_wait3A_193] : memref<16x128xi32, #tpu.memory_space<vmem>> -> memref<1x128xi32, #tpu.memory_space<vmem>>
    %dma_wait3A_195 = tpu.memref_squeeze %dma_wait3A_194 : memref<1x128xi32, #tpu.memory_space<vmem>> -> memref<128xi32, #tpu.memory_space<vmem>>
    %dma_wait3A_196 = arith.constant 0 : i32
    %dma_wait3A_197 = arith.constant 0 : i32
    %dma_wait3A_198 = tpu.memref_slice %arg2[%dma_wait3A_196, %dma_wait3A_197] : memref<32768x32xf32, #tpu.memory_space<hbm>> -> memref<32768x32xf32, #tpu.memory_space<hbm>>
    tpu.wait_indirect_dma semaphore(%arg7 : memref<!tpu.dma_semaphore, #tpu.memory_space<semaphore_mem>>) src(%dma_wait3A_198 : memref<32768x32xf32, #tpu.memory_space<hbm>>) dst(%dma_wait3A_192 : memref<128x32xf32, #tpu.memory_space<vmem>>)
    %dma_wait3A_199 = arith.constant 4 : i32
    %dma_wait3A_200 = arith.constant 512 : i32
    %dma_wait3A_201 = arith.constant 0 : i32
    %dma_wait3A_202 = tpu.memref_slice %arg6[%dma_wait3A_200, %dma_wait3A_201] : memref<2048x32xf32, #tpu.memory_space<vmem>> -> memref<128x32xf32, #tpu.memory_space<vmem>>
    %dma_wait3A_203 = arith.constant 0 : i32
    %dma_wait3A_204 = tpu.memref_slice %arg5[%dma_wait3A_199, %dma_wait3A_203] : memref<16x128xi32, #tpu.memory_space<vmem>> -> memref<1x128xi32, #tpu.memory_space<vmem>>
    %dma_wait3A_205 = tpu.memref_squeeze %dma_wait3A_204 : memref<1x128xi32, #tpu.memory_space<vmem>> -> memref<128xi32, #tpu.memory_space<vmem>>
    %dma_wait3A_206 = arith.constant 0 : i32
    %dma_wait3A_207 = arith.constant 0 : i32
    %dma_wait3A_208 = tpu.memref_slice %arg2[%dma_wait3A_206, %dma_wait3A_207] : memref<32768x32xf32, #tpu.memory_space<hbm>> -> memref<32768x32xf32, #tpu.memory_space<hbm>>
    tpu.wait_indirect_dma semaphore(%arg7 : memref<!tpu.dma_semaphore, #tpu.memory_space<semaphore_mem>>) src(%dma_wait3A_208 : memref<32768x32xf32, #tpu.memory_space<hbm>>) dst(%dma_wait3A_202 : memref<128x32xf32, #tpu.memory_space<vmem>>)
    %dma_wait3A_209 = arith.constant 5 : i32
    %dma_wait3A_210 = arith.constant 640 : i32
    %dma_wait3A_211 = arith.constant 0 : i32
    %dma_wait3A_212 = tpu.memref_slice %arg6[%dma_wait3A_210, %dma_wait3A_211] : memref<2048x32xf32, #tpu.memory_space<vmem>> -> memref<128x32xf32, #tpu.memory_space<vmem>>
    %dma_wait3A_213 = arith.constant 0 : i32
    %dma_wait3A_214 = tpu.memref_slice %arg5[%dma_wait3A_209, %dma_wait3A_213] : memref<16x128xi32, #tpu.memory_space<vmem>> -> memref<1x128xi32, #tpu.memory_space<vmem>>
    %dma_wait3A_215 = tpu.memref_squeeze %dma_wait3A_214 : memref<1x128xi32, #tpu.memory_space<vmem>> -> memref<128xi32, #tpu.memory_space<vmem>>
    %dma_wait3A_216 = arith.constant 0 : i32
    %dma_wait3A_217 = arith.constant 0 : i32
    %dma_wait3A_218 = tpu.memref_slice %arg2[%dma_wait3A_216, %dma_wait3A_217] : memref<32768x32xf32, #tpu.memory_space<hbm>> -> memref<32768x32xf32, #tpu.memory_space<hbm>>
    tpu.wait_indirect_dma semaphore(%arg7 : memref<!tpu.dma_semaphore, #tpu.memory_space<semaphore_mem>>) src(%dma_wait3A_218 : memref<32768x32xf32, #tpu.memory_space<hbm>>) dst(%dma_wait3A_212 : memref<128x32xf32, #tpu.memory_space<vmem>>)
    %dma_wait3A_219 = arith.constant 6 : i32
    %dma_wait3A_220 = arith.constant 768 : i32
    %dma_wait3A_221 = arith.constant 0 : i32
    %dma_wait3A_222 = tpu.memref_slice %arg6[%dma_wait3A_220, %dma_wait3A_221] : memref<2048x32xf32, #tpu.memory_space<vmem>> -> memref<128x32xf32, #tpu.memory_space<vmem>>
    %dma_wait3A_223 = arith.constant 0 : i32
    %dma_wait3A_224 = tpu.memref_slice %arg5[%dma_wait3A_219, %dma_wait3A_223] : memref<16x128xi32, #tpu.memory_space<vmem>> -> memref<1x128xi32, #tpu.memory_space<vmem>>
    %dma_wait3A_225 = tpu.memref_squeeze %dma_wait3A_224 : memref<1x128xi32, #tpu.memory_space<vmem>> -> memref<128xi32, #tpu.memory_space<vmem>>
    %dma_wait3A_226 = arith.constant 0 : i32
    %dma_wait3A_227 = arith.constant 0 : i32
    %dma_wait3A_228 = tpu.memref_slice %arg2[%dma_wait3A_226, %dma_wait3A_227] : memref<32768x32xf32, #tpu.memory_space<hbm>> -> memref<32768x32xf32, #tpu.memory_space<hbm>>
    tpu.wait_indirect_dma semaphore(%arg7 : memref<!tpu.dma_semaphore, #tpu.memory_space<semaphore_mem>>) src(%dma_wait3A_228 : memref<32768x32xf32, #tpu.memory_space<hbm>>) dst(%dma_wait3A_222 : memref<128x32xf32, #tpu.memory_space<vmem>>)
    %dma_wait3A_229 = arith.constant 7 : i32
    %dma_wait3A_230 = arith.constant 896 : i32
    %dma_wait3A_231 = arith.constant 0 : i32
    %dma_wait3A_232 = tpu.memref_slice %arg6[%dma_wait3A_230, %dma_wait3A_231] : memref<2048x32xf32, #tpu.memory_space<vmem>> -> memref<128x32xf32, #tpu.memory_space<vmem>>
    %dma_wait3A_233 = arith.constant 0 : i32
    %dma_wait3A_234 = tpu.memref_slice %arg5[%dma_wait3A_229, %dma_wait3A_233] : memref<16x128xi32, #tpu.memory_space<vmem>> -> memref<1x128xi32, #tpu.memory_space<vmem>>
    %dma_wait3A_235 = tpu.memref_squeeze %dma_wait3A_234 : memref<1x128xi32, #tpu.memory_space<vmem>> -> memref<128xi32, #tpu.memory_space<vmem>>
    %dma_wait3A_236 = arith.constant 0 : i32
    %dma_wait3A_237 = arith.constant 0 : i32
    %dma_wait3A_238 = tpu.memref_slice %arg2[%dma_wait3A_236, %dma_wait3A_237] : memref<32768x32xf32, #tpu.memory_space<hbm>> -> memref<32768x32xf32, #tpu.memory_space<hbm>>
    tpu.wait_indirect_dma semaphore(%arg7 : memref<!tpu.dma_semaphore, #tpu.memory_space<semaphore_mem>>) src(%dma_wait3A_238 : memref<32768x32xf32, #tpu.memory_space<hbm>>) dst(%dma_wait3A_232 : memref<128x32xf32, #tpu.memory_space<vmem>>)
    %dma_wait3A_239 = arith.constant 8 : i32
    %dma_wait3A_240 = arith.constant 1024 : i32
    %dma_wait3A_241 = arith.constant 0 : i32
    %dma_wait3A_242 = tpu.memref_slice %arg6[%dma_wait3A_240, %dma_wait3A_241] : memref<2048x32xf32, #tpu.memory_space<vmem>> -> memref<128x32xf32, #tpu.memory_space<vmem>>
    %dma_wait3A_243 = arith.constant 0 : i32
    %dma_wait3A_244 = tpu.memref_slice %arg5[%dma_wait3A_239, %dma_wait3A_243] : memref<16x128xi32, #tpu.memory_space<vmem>> -> memref<1x128xi32, #tpu.memory_space<vmem>>
    %dma_wait3A_245 = tpu.memref_squeeze %dma_wait3A_244 : memref<1x128xi32, #tpu.memory_space<vmem>> -> memref<128xi32, #tpu.memory_space<vmem>>
    %dma_wait3A_246 = arith.constant 0 : i32
    %dma_wait3A_247 = arith.constant 0 : i32
    %dma_wait3A_248 = tpu.memref_slice %arg2[%dma_wait3A_246, %dma_wait3A_247] : memref<32768x32xf32, #tpu.memory_space<hbm>> -> memref<32768x32xf32, #tpu.memory_space<hbm>>
    tpu.wait_indirect_dma semaphore(%arg7 : memref<!tpu.dma_semaphore, #tpu.memory_space<semaphore_mem>>) src(%dma_wait3A_248 : memref<32768x32xf32, #tpu.memory_space<hbm>>) dst(%dma_wait3A_242 : memref<128x32xf32, #tpu.memory_space<vmem>>)
    %dma_wait3A_249 = arith.constant 9 : i32
    %dma_wait3A_250 = arith.constant 1152 : i32
    %dma_wait3A_251 = arith.constant 0 : i32
    %dma_wait3A_252 = tpu.memref_slice %arg6[%dma_wait3A_250, %dma_wait3A_251] : memref<2048x32xf32, #tpu.memory_space<vmem>> -> memref<128x32xf32, #tpu.memory_space<vmem>>
    %dma_wait3A_253 = arith.constant 0 : i32
    %dma_wait3A_254 = tpu.memref_slice %arg5[%dma_wait3A_249, %dma_wait3A_253] : memref<16x128xi32, #tpu.memory_space<vmem>> -> memref<1x128xi32, #tpu.memory_space<vmem>>
    %dma_wait3A_255 = tpu.memref_squeeze %dma_wait3A_254 : memref<1x128xi32, #tpu.memory_space<vmem>> -> memref<128xi32, #tpu.memory_space<vmem>>
    %dma_wait3A_256 = arith.constant 0 : i32
    %dma_wait3A_257 = arith.constant 0 : i32
    %dma_wait3A_258 = tpu.memref_slice %arg2[%dma_wait3A_256, %dma_wait3A_257] : memref<32768x32xf32, #tpu.memory_space<hbm>> -> memref<32768x32xf32, #tpu.memory_space<hbm>>
    tpu.wait_indirect_dma semaphore(%arg7 : memref<!tpu.dma_semaphore, #tpu.memory_space<semaphore_mem>>) src(%dma_wait3A_258 : memref<32768x32xf32, #tpu.memory_space<hbm>>) dst(%dma_wait3A_252 : memref<128x32xf32, #tpu.memory_space<vmem>>)
    %dma_wait3A_259 = arith.constant 10 : i32
    %dma_wait3A_260 = arith.constant 1280 : i32
    %dma_wait3A_261 = arith.constant 0 : i32
    %dma_wait3A_262 = tpu.memref_slice %arg6[%dma_wait3A_260, %dma_wait3A_261] : memref<2048x32xf32, #tpu.memory_space<vmem>> -> memref<128x32xf32, #tpu.memory_space<vmem>>
    %dma_wait3A_263 = arith.constant 0 : i32
    %dma_wait3A_264 = tpu.memref_slice %arg5[%dma_wait3A_259, %dma_wait3A_263] : memref<16x128xi32, #tpu.memory_space<vmem>> -> memref<1x128xi32, #tpu.memory_space<vmem>>
    %dma_wait3A_265 = tpu.memref_squeeze %dma_wait3A_264 : memref<1x128xi32, #tpu.memory_space<vmem>> -> memref<128xi32, #tpu.memory_space<vmem>>
    %dma_wait3A_266 = arith.constant 0 : i32
    %dma_wait3A_267 = arith.constant 0 : i32
    %dma_wait3A_268 = tpu.memref_slice %arg2[%dma_wait3A_266, %dma_wait3A_267] : memref<32768x32xf32, #tpu.memory_space<hbm>> -> memref<32768x32xf32, #tpu.memory_space<hbm>>
    tpu.wait_indirect_dma semaphore(%arg7 : memref<!tpu.dma_semaphore, #tpu.memory_space<semaphore_mem>>) src(%dma_wait3A_268 : memref<32768x32xf32, #tpu.memory_space<hbm>>) dst(%dma_wait3A_262 : memref<128x32xf32, #tpu.memory_space<vmem>>)
    %dma_wait3A_269 = arith.constant 11 : i32
    %dma_wait3A_270 = arith.constant 1408 : i32
    %dma_wait3A_271 = arith.constant 0 : i32
    %dma_wait3A_272 = tpu.memref_slice %arg6[%dma_wait3A_270, %dma_wait3A_271] : memref<2048x32xf32, #tpu.memory_space<vmem>> -> memref<128x32xf32, #tpu.memory_space<vmem>>
    %dma_wait3A_273 = arith.constant 0 : i32
    %dma_wait3A_274 = tpu.memref_slice %arg5[%dma_wait3A_269, %dma_wait3A_273] : memref<16x128xi32, #tpu.memory_space<vmem>> -> memref<1x128xi32, #tpu.memory_space<vmem>>
    %dma_wait3A_275 = tpu.memref_squeeze %dma_wait3A_274 : memref<1x128xi32, #tpu.memory_space<vmem>> -> memref<128xi32, #tpu.memory_space<vmem>>
    %dma_wait3A_276 = arith.constant 0 : i32
    %dma_wait3A_277 = arith.constant 0 : i32
    %dma_wait3A_278 = tpu.memref_slice %arg2[%dma_wait3A_276, %dma_wait3A_277] : memref<32768x32xf32, #tpu.memory_space<hbm>> -> memref<32768x32xf32, #tpu.memory_space<hbm>>
    tpu.wait_indirect_dma semaphore(%arg7 : memref<!tpu.dma_semaphore, #tpu.memory_space<semaphore_mem>>) src(%dma_wait3A_278 : memref<32768x32xf32, #tpu.memory_space<hbm>>) dst(%dma_wait3A_272 : memref<128x32xf32, #tpu.memory_space<vmem>>)
    %dma_wait3A_279 = arith.constant 12 : i32
    %dma_wait3A_280 = arith.constant 1536 : i32
    %dma_wait3A_281 = arith.constant 0 : i32
    %dma_wait3A_282 = tpu.memref_slice %arg6[%dma_wait3A_280, %dma_wait3A_281] : memref<2048x32xf32, #tpu.memory_space<vmem>> -> memref<128x32xf32, #tpu.memory_space<vmem>>
    %dma_wait3A_283 = arith.constant 0 : i32
    %dma_wait3A_284 = tpu.memref_slice %arg5[%dma_wait3A_279, %dma_wait3A_283] : memref<16x128xi32, #tpu.memory_space<vmem>> -> memref<1x128xi32, #tpu.memory_space<vmem>>
    %dma_wait3A_285 = tpu.memref_squeeze %dma_wait3A_284 : memref<1x128xi32, #tpu.memory_space<vmem>> -> memref<128xi32, #tpu.memory_space<vmem>>
    %dma_wait3A_286 = arith.constant 0 : i32
    %dma_wait3A_287 = arith.constant 0 : i32
    %dma_wait3A_288 = tpu.memref_slice %arg2[%dma_wait3A_286, %dma_wait3A_287] : memref<32768x32xf32, #tpu.memory_space<hbm>> -> memref<32768x32xf32, #tpu.memory_space<hbm>>
    tpu.wait_indirect_dma semaphore(%arg7 : memref<!tpu.dma_semaphore, #tpu.memory_space<semaphore_mem>>) src(%dma_wait3A_288 : memref<32768x32xf32, #tpu.memory_space<hbm>>) dst(%dma_wait3A_282 : memref<128x32xf32, #tpu.memory_space<vmem>>)
    %dma_wait3A_289 = arith.constant 13 : i32
    %dma_wait3A_290 = arith.constant 1664 : i32
    %dma_wait3A_291 = arith.constant 0 : i32
    %dma_wait3A_292 = tpu.memref_slice %arg6[%dma_wait3A_290, %dma_wait3A_291] : memref<2048x32xf32, #tpu.memory_space<vmem>> -> memref<128x32xf32, #tpu.memory_space<vmem>>
    %dma_wait3A_293 = arith.constant 0 : i32
    %dma_wait3A_294 = tpu.memref_slice %arg5[%dma_wait3A_289, %dma_wait3A_293] : memref<16x128xi32, #tpu.memory_space<vmem>> -> memref<1x128xi32, #tpu.memory_space<vmem>>
    %dma_wait3A_295 = tpu.memref_squeeze %dma_wait3A_294 : memref<1x128xi32, #tpu.memory_space<vmem>> -> memref<128xi32, #tpu.memory_space<vmem>>
    %dma_wait3A_296 = arith.constant 0 : i32
    %dma_wait3A_297 = arith.constant 0 : i32
    %dma_wait3A_298 = tpu.memref_slice %arg2[%dma_wait3A_296, %dma_wait3A_297] : memref<32768x32xf32, #tpu.memory_space<hbm>> -> memref<32768x32xf32, #tpu.memory_space<hbm>>
    tpu.wait_indirect_dma semaphore(%arg7 : memref<!tpu.dma_semaphore, #tpu.memory_space<semaphore_mem>>) src(%dma_wait3A_298 : memref<32768x32xf32, #tpu.memory_space<hbm>>) dst(%dma_wait3A_292 : memref<128x32xf32, #tpu.memory_space<vmem>>)
    %dma_wait3A_299 = arith.constant 14 : i32
    %dma_wait3A_300 = arith.constant 1792 : i32
    %dma_wait3A_301 = arith.constant 0 : i32
    %dma_wait3A_302 = tpu.memref_slice %arg6[%dma_wait3A_300, %dma_wait3A_301] : memref<2048x32xf32, #tpu.memory_space<vmem>> -> memref<128x32xf32, #tpu.memory_space<vmem>>
    %dma_wait3A_303 = arith.constant 0 : i32
    %dma_wait3A_304 = tpu.memref_slice %arg5[%dma_wait3A_299, %dma_wait3A_303] : memref<16x128xi32, #tpu.memory_space<vmem>> -> memref<1x128xi32, #tpu.memory_space<vmem>>
    %dma_wait3A_305 = tpu.memref_squeeze %dma_wait3A_304 : memref<1x128xi32, #tpu.memory_space<vmem>> -> memref<128xi32, #tpu.memory_space<vmem>>
    %dma_wait3A_306 = arith.constant 0 : i32
    %dma_wait3A_307 = arith.constant 0 : i32
    %dma_wait3A_308 = tpu.memref_slice %arg2[%dma_wait3A_306, %dma_wait3A_307] : memref<32768x32xf32, #tpu.memory_space<hbm>> -> memref<32768x32xf32, #tpu.memory_space<hbm>>
    tpu.wait_indirect_dma semaphore(%arg7 : memref<!tpu.dma_semaphore, #tpu.memory_space<semaphore_mem>>) src(%dma_wait3A_308 : memref<32768x32xf32, #tpu.memory_space<hbm>>) dst(%dma_wait3A_302 : memref<128x32xf32, #tpu.memory_space<vmem>>)
    %dma_wait3A_309 = arith.constant 15 : i32
    %dma_wait3A_310 = arith.constant 1920 : i32
    %dma_wait3A_311 = arith.constant 0 : i32
    %dma_wait3A_312 = tpu.memref_slice %arg6[%dma_wait3A_310, %dma_wait3A_311] : memref<2048x32xf32, #tpu.memory_space<vmem>> -> memref<128x32xf32, #tpu.memory_space<vmem>>
    %dma_wait3A_313 = arith.constant 0 : i32
    %dma_wait3A_314 = tpu.memref_slice %arg5[%dma_wait3A_309, %dma_wait3A_313] : memref<16x128xi32, #tpu.memory_space<vmem>> -> memref<1x128xi32, #tpu.memory_space<vmem>>
    %dma_wait3A_315 = tpu.memref_squeeze %dma_wait3A_314 : memref<1x128xi32, #tpu.memory_space<vmem>> -> memref<128xi32, #tpu.memory_space<vmem>>
    %dma_wait3A_316 = arith.constant 0 : i32
    %dma_wait3A_317 = arith.constant 0 : i32
    %dma_wait3A_318 = tpu.memref_slice %arg2[%dma_wait3A_316, %dma_wait3A_317] : memref<32768x32xf32, #tpu.memory_space<hbm>> -> memref<32768x32xf32, #tpu.memory_space<hbm>>
    tpu.wait_indirect_dma semaphore(%arg7 : memref<!tpu.dma_semaphore, #tpu.memory_space<semaphore_mem>>) src(%dma_wait3A_318 : memref<32768x32xf32, #tpu.memory_space<hbm>>) dst(%dma_wait3A_312 : memref<128x32xf32, #tpu.memory_space<vmem>>)
    %mul3A_319 = arith.constant 2048 : i32
    %mul3A_320 = arith.muli %add3A, %mul3A_319 : i32
    "tpu.region"() ({
      %run_scoped3A = tpu.sem_alloc : memref<!tpu.dma_semaphore, #tpu.memory_space<semaphore_mem>>
      %dma_start3A_321 = arith.constant 0 : i32
      %dma_start3A_322 = tpu.memref_slice %arg4[%mul3A_320, %dma_start3A_321] : memref<65536x32xf32, #tpu.memory_space<hbm>> -> memref<2048x32xf32, #tpu.memory_space<hbm>>
      %dma_start3A_323 = arith.constant 0 : i32
      %dma_start3A_324 = tpu.memref_slice %arg4[%mul3A_320, %dma_start3A_323] : memref<65536x32xf32, #tpu.memory_space<hbm>> -> memref<2048x32xf32, #tpu.memory_space<hbm>>
      tpu.enqueue_dma source(%arg6 : memref<2048x32xf32, #tpu.memory_space<vmem>>) target(%dma_start3A_324 : memref<2048x32xf32, #tpu.memory_space<hbm>>) target_semaphore(%run_scoped3A : memref<!tpu.dma_semaphore, #tpu.memory_space<semaphore_mem>>)
      %dma_wait3A_325 = arith.constant 0 : i32
      %dma_wait3A_326 = tpu.memref_slice %arg4[%mul3A_320, %dma_wait3A_325] : memref<65536x32xf32, #tpu.memory_space<hbm>> -> memref<2048x32xf32, #tpu.memory_space<hbm>>
      %dma_wait3A_327 = arith.constant 0 : i32
      %dma_wait3A_328 = tpu.memref_slice %arg4[%mul3A_320, %dma_wait3A_327] : memref<65536x32xf32, #tpu.memory_space<hbm>> -> memref<2048x32xf32, #tpu.memory_space<hbm>>
      tpu.wait_dma2 semaphore(%run_scoped3A : memref<!tpu.dma_semaphore, #tpu.memory_space<semaphore_mem>>) src(%arg6 : memref<2048x32xf32, #tpu.memory_space<vmem>>) dst(%dma_wait3A_328 : memref<2048x32xf32, #tpu.memory_space<hbm>>)
      tpu.yield
    }) : () -> ()
    return
  }
}

module attributes {stable_mosaic.version = 14 : i64} {
  func.func @_fps_body(%arg0: memref<3x4x64x128xf32, #tpu.memory_space<vmem>>, %arg1: memref<4x4x128xi32, #tpu.memory_space<vmem>>, %arg2: memref<3x4x4x128xf32, #tpu.memory_space<vmem>>) attributes {dimension_semantics = [], scalar_prefetch = 0 : i64, scratch_operands = 0 : i64, tpu.core_type = #tpu.core_type<tc>} {
    %get3A = arith.constant 0 : index
    %get3A_0 = arith.constant 0 : index
    %get3A_1 = arith.constant 0 : index
    %get3A_2 = arith.constant 0 : index
    %get3A_3 = vector.load %arg0[%get3A, %get3A_0, %get3A_1, %get3A_2] : memref<3x4x64x128xf32, #tpu.memory_space<vmem>>, vector<1x4x64x128xf32>
    %get3A_4 = vector.shape_cast %get3A_3 : vector<1x4x64x128xf32> to vector<4x64x128xf32>
    %get3A_5 = arith.constant 1 : index
    %get3A_6 = arith.constant 0 : index
    %get3A_7 = arith.constant 0 : index
    %get3A_8 = arith.constant 0 : index
    %get3A_9 = vector.load %arg0[%get3A_5, %get3A_6, %get3A_7, %get3A_8] : memref<3x4x64x128xf32, #tpu.memory_space<vmem>>, vector<1x4x64x128xf32>
    %get3A_10 = vector.shape_cast %get3A_9 : vector<1x4x64x128xf32> to vector<4x64x128xf32>
    %get3A_11 = arith.constant 2 : index
    %get3A_12 = arith.constant 0 : index
    %get3A_13 = arith.constant 0 : index
    %get3A_14 = arith.constant 0 : index
    %get3A_15 = vector.load %arg0[%get3A_11, %get3A_12, %get3A_13, %get3A_14] : memref<3x4x64x128xf32, #tpu.memory_space<vmem>>, vector<1x4x64x128xf32>
    %get3A_16 = vector.shape_cast %get3A_15 : vector<1x4x64x128xf32> to vector<4x64x128xf32>
    %iota3A = tpu.iota {dimensions = array<i32: 1>} : vector<4x64x128xi32>
    %mul3A = arith.constant 128 : i32
    %mul3A_17 = vector.broadcast %mul3A : i32 to vector<4x64x128xi32>
    %mul3A_18 = arith.muli %iota3A, %mul3A_17 : vector<4x64x128xi32>
    %iota3A_19 = tpu.iota {dimensions = array<i32: 2>} : vector<4x64x128xi32>
    %add3A = arith.addi %mul3A_18, %iota3A_19 : vector<4x64x128xi32>
    %iota3A_20 = tpu.iota {dimensions = array<i32: 1>} : vector<4x4x128xi32>
    %mul3A_21 = arith.constant 128 : i32
    %mul3A_22 = vector.broadcast %mul3A_21 : i32 to vector<4x4x128xi32>
    %mul3A_23 = arith.muli %iota3A_20, %mul3A_22 : vector<4x4x128xi32>
    %iota3A_24 = tpu.iota {dimensions = array<i32: 2>} : vector<4x4x128xi32>
    %add3A_25 = arith.addi %mul3A_23, %iota3A_24 : vector<4x4x128xi32>
    %get3A_26 = arith.constant 0 : index
    %get3A_27 = arith.constant 0 : index
    %get3A_28 = arith.constant 0 : index
    %get3A_29 = arith.constant 0 : index
    %get3A_30 = vector.load %arg0[%get3A_26, %get3A_27, %get3A_28, %get3A_29] : memref<3x4x64x128xf32, #tpu.memory_space<vmem>>, vector<3x4x64x128xf32>
    %slice3A = vector.extract_strided_slice %add3A {offsets = [0, 0, 0], sizes = [4, 4, 128], strides = [1, 1, 1]} : vector<4x64x128xi32> to vector<4x4x128xi32>
    %add3A_31 = arith.addi %slice3A, %add3A_25 : vector<4x4x128xi32>
    %shift_right_arithmetic3A = arith.constant 31 : i32
    %shift_right_arithmetic3A_32 = vector.broadcast %shift_right_arithmetic3A : i32 to vector<4x4x128xi32>
    %shift_right_arithmetic3A_33 = arith.shrsi %add3A_31, %shift_right_arithmetic3A_32 : vector<4x4x128xi32>
    %convert_element_type3A = arith.sitofp %shift_right_arithmetic3A_33 : vector<4x4x128xi32> to vector<4x4x128xf32>
    %shift_right_arithmetic3A_34 = arith.constant 31 : i32
    %shift_right_arithmetic3A_35 = vector.broadcast %shift_right_arithmetic3A_34 : i32 to vector<4x64x128xi32>
    %shift_right_arithmetic3A_36 = arith.shrsi %add3A, %shift_right_arithmetic3A_35 : vector<4x64x128xi32>
    %convert_element_type3A_37 = arith.sitofp %shift_right_arithmetic3A_36 : vector<4x64x128xi32> to vector<4x64x128xf32>
    %add3A_38 = arith.constant 1.000000e+10 : f32
    %add3A_39 = vector.broadcast %add3A_38 : f32 to vector<4x64x128xf32>
    %add3A_40 = arith.addf %convert_element_type3A_37, %add3A_39 : vector<4x64x128xf32>
    %slice3A_41 = vector.extract_strided_slice %add3A {offsets = [0, 0, 0], sizes = [4, 1, 1], strides = [1, 1, 1]} : vector<4x64x128xi32> to vector<4x1x1xi32>
    %shift_right_arithmetic3A_42 = arith.constant 31 : i32
    %shift_right_arithmetic3A_43 = vector.broadcast %shift_right_arithmetic3A_42 : i32 to vector<4x1x1xi32>
    %shift_right_arithmetic3A_44 = arith.shrsi %slice3A_41, %shift_right_arithmetic3A_43 : vector<4x1x1xi32>
    %scan3A = arith.constant 0 : i32
    %scan3A_45 = arith.constant 512 : i32
    %scan3A_46 = arith.addi %scan3A, %scan3A_45 : i32
    %scan3A_47 = arith.constant 1 : i32
    %scan3A_48:6 = scf.for %scan3A_74 = %scan3A to %scan3A_46 step %scan3A_47 iter_args(%scan3A_75 = %add3A_40, %scan3A_76 = %shift_right_arithmetic3A_44, %scan3A_77 = %shift_right_arithmetic3A_33, %scan3A_78 = %convert_element_type3A, %scan3A_79 = %convert_element_type3A, %scan3A_80 = %convert_element_type3A) -> (vector<4x64x128xf32>, vector<4x1x1xi32>, vector<4x4x128xi32>, vector<4x4x128xf32>, vector<4x4x128xf32>, vector<4x4x128xf32>)  : i32 {
      %eq3A = vector.broadcast %scan3A_76 : vector<4x1x1xi32> to vector<4x64x128xi32>
      %eq3A_81 = arith.cmpi eq, %add3A, %eq3A : vector<4x64x128xi32>
      %broadcast_in_dim3A = vector.shape_cast %eq3A_81 : vector<4x64x128xi1> to vector<1x4x64x128xi1>
      %jit3A = arith.constant 0.000000e+00 : f32
      %broadcast_in_dim3A_82 = vector.shape_cast %broadcast_in_dim3A : vector<1x4x64x128xi1> to vector<1x4x64x128xi1>
      %broadcast_in_dim3A_83 = vector.broadcast %broadcast_in_dim3A_82 : vector<1x4x64x128xi1> to vector<3x4x64x128xi1>
      %broadcast_in_dim3A_84 = vector.broadcast %jit3A : f32 to vector<3x4x64x128xf32>
      %select_n3A = arith.select %broadcast_in_dim3A_83, %get3A_30, %broadcast_in_dim3A_84 : vector<3x4x64x128xi1>, vector<3x4x64x128xf32>
      %reduce_sum3A = arith.constant dense<0.000000e+00> : vector<3x4x128xf32>
      %reduce_sum3A_85 = vector.multi_reduction <add>, %select_n3A, %reduce_sum3A [2] : vector<3x4x64x128xf32> to vector<3x4x128xf32>
      %broadcast_in_dim3A_86 = vector.shape_cast %reduce_sum3A_85 : vector<3x4x128xf32> to vector<3x4x1x128xf32>
      %reduce_sum3A_87 = arith.constant dense<0.000000e+00> : vector<3x4x1xf32>
      %reduce_sum3A_88 = vector.multi_reduction <add>, %broadcast_in_dim3A_86, %reduce_sum3A_87 [3] : vector<3x4x1x128xf32> to vector<3x4x1xf32>
      %broadcast_in_dim3A_89 = vector.shape_cast %reduce_sum3A_88 : vector<3x4x1xf32> to vector<3x4x1x1xf32>
      %slice3A_90 = vector.extract_strided_slice %broadcast_in_dim3A_89 {offsets = [0, 0, 0, 0], sizes = [1, 4, 1, 1], strides = [1, 1, 1, 1]} : vector<3x4x1x1xf32> to vector<1x4x1x1xf32>
      %squeeze3A = vector.shape_cast %slice3A_90 : vector<1x4x1x1xf32> to vector<4x1x1xf32>
      %slice3A_91 = vector.extract_strided_slice %broadcast_in_dim3A_89 {offsets = [1, 0, 0, 0], sizes = [1, 4, 1, 1], strides = [1, 1, 1, 1]} : vector<3x4x1x1xf32> to vector<1x4x1x1xf32>
      %squeeze3A_92 = vector.shape_cast %slice3A_91 : vector<1x4x1x1xf32> to vector<4x1x1xf32>
      %slice3A_93 = vector.extract_strided_slice %broadcast_in_dim3A_89 {offsets = [2, 0, 0, 0], sizes = [1, 4, 1, 1], strides = [1, 1, 1, 1]} : vector<3x4x1x1xf32> to vector<1x4x1x1xf32>
      %squeeze3A_94 = vector.shape_cast %slice3A_93 : vector<1x4x1x1xf32> to vector<4x1x1xf32>
      %eq3A_95 = vector.broadcast %scan3A_74 : i32 to vector<4x4x128xi32>
      %eq3A_96 = arith.cmpi eq, %add3A_25, %eq3A_95 : vector<4x4x128xi32>
      %convert_element_type3A_97 = arith.extui %eq3A_96 : vector<4x4x128xi1> to vector<4x4x128xi32>
      %convert_element_type3A_98 = arith.sitofp %convert_element_type3A_97 : vector<4x4x128xi32> to vector<4x4x128xf32>
      %mul3A_99 = vector.broadcast %scan3A_76 : vector<4x1x1xi32> to vector<4x4x128xi32>
      %mul3A_100 = arith.muli %convert_element_type3A_97, %mul3A_99 : vector<4x4x128xi32>
      %add3A_101 = arith.addi %scan3A_77, %mul3A_100 : vector<4x4x128xi32>
      %mul3A_102 = vector.broadcast %squeeze3A : vector<4x1x1xf32> to vector<4x4x128xf32>
      %mul3A_103 = arith.mulf %convert_element_type3A_98, %mul3A_102 : vector<4x4x128xf32>
      %add3A_104 = arith.addf %scan3A_78, %mul3A_103 : vector<4x4x128xf32>
      %mul3A_105 = vector.broadcast %squeeze3A_92 : vector<4x1x1xf32> to vector<4x4x128xf32>
      %mul3A_106 = arith.mulf %convert_element_type3A_98, %mul3A_105 : vector<4x4x128xf32>
      %add3A_107 = arith.addf %scan3A_79, %mul3A_106 : vector<4x4x128xf32>
      %mul3A_108 = vector.broadcast %squeeze3A_94 : vector<4x1x1xf32> to vector<4x4x128xf32>
      %mul3A_109 = arith.mulf %convert_element_type3A_98, %mul3A_108 : vector<4x4x128xf32>
      %add3A_110 = arith.addf %scan3A_80, %mul3A_109 : vector<4x4x128xf32>
      %sub3A = vector.broadcast %squeeze3A : vector<4x1x1xf32> to vector<4x64x128xf32>
      %sub3A_111 = arith.subf %get3A_4, %sub3A : vector<4x64x128xf32>
      %integer_pow3A = arith.mulf %sub3A_111, %sub3A_111 : vector<4x64x128xf32>
      %sub3A_112 = vector.broadcast %squeeze3A_92 : vector<4x1x1xf32> to vector<4x64x128xf32>
      %sub3A_113 = arith.subf %get3A_10, %sub3A_112 : vector<4x64x128xf32>
      %integer_pow3A_114 = arith.mulf %sub3A_113, %sub3A_113 : vector<4x64x128xf32>
      %add3A_115 = arith.addf %integer_pow3A, %integer_pow3A_114 : vector<4x64x128xf32>
      %sub3A_116 = vector.broadcast %squeeze3A_94 : vector<4x1x1xf32> to vector<4x64x128xf32>
      %sub3A_117 = arith.subf %get3A_16, %sub3A_116 : vector<4x64x128xf32>
      %integer_pow3A_118 = arith.mulf %sub3A_117, %sub3A_117 : vector<4x64x128xf32>
      %add3A_119 = arith.addf %add3A_115, %integer_pow3A_118 : vector<4x64x128xf32>
      %min3A = arith.minimumf %scan3A_75, %add3A_119 : vector<4x64x128xf32>
      %reduce_max3A = arith.constant dense<0xFF800000> : vector<4x128xf32>
      %reduce_max3A_120 = vector.multi_reduction <maximumf>, %min3A, %reduce_max3A [1] : vector<4x64x128xf32> to vector<4x128xf32>
      %broadcast_in_dim3A_121 = vector.shape_cast %reduce_max3A_120 : vector<4x128xf32> to vector<4x1x128xf32>
      %reduce_max3A_122 = arith.constant dense<0xFF800000> : vector<4x1xf32>
      %reduce_max3A_123 = vector.multi_reduction <maximumf>, %broadcast_in_dim3A_121, %reduce_max3A_122 [2] : vector<4x1x128xf32> to vector<4x1xf32>
      %broadcast_in_dim3A_124 = vector.shape_cast %reduce_max3A_123 : vector<4x1xf32> to vector<4x1x1xf32>
      %eq3A_125 = vector.broadcast %broadcast_in_dim3A_124 : vector<4x1x1xf32> to vector<4x64x128xf32>
      %eq3A_126 = arith.cmpf oeq, %min3A, %eq3A_125 : vector<4x64x128xf32>
      %convert_element_type3A_127 = arith.extui %eq3A_126 : vector<4x64x128xi1> to vector<4x64x128xi32>
      %sub3A_128 = arith.constant 8192 : i32
      %sub3A_129 = vector.broadcast %sub3A_128 : i32 to vector<4x64x128xi32>
      %sub3A_130 = arith.subi %add3A, %sub3A_129 : vector<4x64x128xi32>
      %mul3A_131 = arith.muli %convert_element_type3A_127, %sub3A_130 : vector<4x64x128xi32>
      %add3A_132 = arith.constant 8192 : i32
      %add3A_133 = vector.broadcast %add3A_132 : i32 to vector<4x64x128xi32>
      %add3A_134 = arith.addi %add3A_133, %mul3A_131 : vector<4x64x128xi32>
      %reduce_min3A = arith.constant dense<2147483647> : vector<4x128xi32>
      %reduce_min3A_135 = vector.multi_reduction <minsi>, %add3A_134, %reduce_min3A [1] : vector<4x64x128xi32> to vector<4x128xi32>
      %broadcast_in_dim3A_136 = vector.shape_cast %reduce_min3A_135 : vector<4x128xi32> to vector<4x1x128xi32>
      %reduce_min3A_137 = arith.constant dense<2147483647> : vector<4x1xi32>
      %reduce_min3A_138 = vector.multi_reduction <minsi>, %broadcast_in_dim3A_136, %reduce_min3A_137 [2] : vector<4x1x128xi32> to vector<4x1xi32>
      %broadcast_in_dim3A_139 = vector.shape_cast %reduce_min3A_138 : vector<4x1xi32> to vector<4x1x1xi32>
      scf.yield %min3A, %broadcast_in_dim3A_139, %add3A_101, %add3A_104, %add3A_107, %add3A_110 : vector<4x64x128xf32>, vector<4x1x1xi32>, vector<4x4x128xi32>, vector<4x4x128xf32>, vector<4x4x128xf32>, vector<4x4x128xf32>
    }
    %scan3A_49 = arith.constant 512 : i32
    %swap3A = arith.constant 0 : index
    %swap3A_50 = arith.constant 0 : index
    %swap3A_51 = arith.constant 0 : index
    %swap3A_52 = vector.load %arg1[%swap3A, %swap3A_50, %swap3A_51] : memref<4x4x128xi32, #tpu.memory_space<vmem>>, vector<4x4x128xi32>
    tpu.vector_store %arg1[%swap3A, %swap3A_50, %swap3A_51], %scan3A_48#2 {strides = array<i32>} : memref<4x4x128xi32, #tpu.memory_space<vmem>>, vector<4x4x128xi32>,
    %swap3A_53 = arith.constant 0 : index
    %swap3A_54 = arith.constant 0 : index
    %swap3A_55 = arith.constant 0 : index
    %swap3A_56 = arith.constant 0 : index
    %swap3A_57 = vector.load %arg2[%swap3A_53, %swap3A_54, %swap3A_55, %swap3A_56] : memref<3x4x4x128xf32, #tpu.memory_space<vmem>>, vector<1x4x4x128xf32>
    %swap3A_58 = vector.shape_cast %swap3A_57 : vector<1x4x4x128xf32> to vector<4x4x128xf32>
    %swap3A_59 = vector.shape_cast %scan3A_48#3 : vector<4x4x128xf32> to vector<1x4x4x128xf32>
    tpu.vector_store %arg2[%swap3A_53, %swap3A_54, %swap3A_55, %swap3A_56], %swap3A_59 {strides = array<i32>} : memref<3x4x4x128xf32, #tpu.memory_space<vmem>>, vector<1x4x4x128xf32>,
    %swap3A_60 = arith.constant 1 : index
    %swap3A_61 = arith.constant 0 : index
    %swap3A_62 = arith.constant 0 : index
    %swap3A_63 = arith.constant 0 : index
    %swap3A_64 = vector.load %arg2[%swap3A_60, %swap3A_61, %swap3A_62, %swap3A_63] : memref<3x4x4x128xf32, #tpu.memory_space<vmem>>, vector<1x4x4x128xf32>
    %swap3A_65 = vector.shape_cast %swap3A_64 : vector<1x4x4x128xf32> to vector<4x4x128xf32>
    %swap3A_66 = vector.shape_cast %scan3A_48#4 : vector<4x4x128xf32> to vector<1x4x4x128xf32>
    tpu.vector_store %arg2[%swap3A_60, %swap3A_61, %swap3A_62, %swap3A_63], %swap3A_66 {strides = array<i32>} : memref<3x4x4x128xf32, #tpu.memory_space<vmem>>, vector<1x4x4x128xf32>,
    %swap3A_67 = arith.constant 2 : index
    %swap3A_68 = arith.constant 0 : index
    %swap3A_69 = arith.constant 0 : index
    %swap3A_70 = arith.constant 0 : index
    %swap3A_71 = vector.load %arg2[%swap3A_67, %swap3A_68, %swap3A_69, %swap3A_70] : memref<3x4x4x128xf32, #tpu.memory_space<vmem>>, vector<1x4x4x128xf32>
    %swap3A_72 = vector.shape_cast %swap3A_71 : vector<1x4x4x128xf32> to vector<4x4x128xf32>
    %swap3A_73 = vector.shape_cast %scan3A_48#5 : vector<4x4x128xf32> to vector<1x4x4x128xf32>
    tpu.vector_store %arg2[%swap3A_67, %swap3A_68, %swap3A_69, %swap3A_70], %swap3A_73 {strides = array<i32>} : memref<3x4x4x128xf32, #tpu.memory_space<vmem>>, vector<1x4x4x128xf32>,
    return
  }
}

module attributes {stable_mosaic.version = 14 : i64} {
  func.func @_bq_body(%arg0: i32, %arg1: i32, %arg2: memref<1x3x8192xf32, #tpu.memory_space<vmem>>, %arg3: memref<1x128x3xf32, #tpu.memory_space<vmem>>, %arg4: memref<1x128x32xi32, #tpu.memory_space<vmem>>) attributes {dimension_semantics = [#tpu.dimension_semantics<arbitrary>, #tpu.dimension_semantics<arbitrary>], iteration_bounds = array<i64: 4, 4>, scalar_prefetch = 0 : i64, scratch_operands = 0 : i64, tpu.core_type = #tpu.core_type<tc>, window_params = [{transform_indices = @transform_0, window_bounds = array<i64: 1, 3, 8192>}, {transform_indices = @transform_1, window_bounds = array<i64: 1, 128, 3>}, {transform_indices = @transform_2, window_bounds = array<i64: 1, 128, 32>}]} {
    %get3A = arith.constant 0 : index
    %get3A_0 = arith.constant 0 : index
    %get3A_1 = arith.constant 0 : index
    %get3A_2 = vector.load %arg2[%get3A, %get3A_0, %get3A_1] : memref<1x3x8192xf32, #tpu.memory_space<vmem>>, vector<1x1x8192xf32>
    %get3A_3 = vector.shape_cast %get3A_2 : vector<1x1x8192xf32> to vector<1x8192xf32>
    %get3A_4 = arith.constant 0 : index
    %get3A_5 = arith.constant 1 : index
    %get3A_6 = arith.constant 0 : index
    %get3A_7 = vector.load %arg2[%get3A_4, %get3A_5, %get3A_6] : memref<1x3x8192xf32, #tpu.memory_space<vmem>>, vector<1x1x8192xf32>
    %get3A_8 = vector.shape_cast %get3A_7 : vector<1x1x8192xf32> to vector<1x8192xf32>
    %get3A_9 = arith.constant 0 : index
    %get3A_10 = arith.constant 2 : index
    %get3A_11 = arith.constant 0 : index
    %get3A_12 = vector.load %arg2[%get3A_9, %get3A_10, %get3A_11] : memref<1x3x8192xf32, #tpu.memory_space<vmem>>, vector<1x1x8192xf32>
    %get3A_13 = vector.shape_cast %get3A_12 : vector<1x1x8192xf32> to vector<1x8192xf32>
    %get3A_14 = arith.constant 0 : index
    %get3A_15 = arith.constant 0 : index
    %get3A_16 = arith.constant 0 : index
    %get3A_17 = vector.load %arg3[%get3A_14, %get3A_15, %get3A_16] : memref<1x128x3xf32, #tpu.memory_space<vmem>>, vector<1x128x1xf32>
    %get3A_18 = vector.shape_cast %get3A_17 : vector<1x128x1xf32> to vector<128x1xf32>
    %get3A_19 = arith.constant 0 : index
    %get3A_20 = arith.constant 0 : index
    %get3A_21 = arith.constant 1 : index
    %get3A_22 = vector.load %arg3[%get3A_19, %get3A_20, %get3A_21] : memref<1x128x3xf32, #tpu.memory_space<vmem>>, vector<1x128x1xf32>
    %get3A_23 = vector.shape_cast %get3A_22 : vector<1x128x1xf32> to vector<128x1xf32>
    %get3A_24 = arith.constant 0 : index
    %get3A_25 = arith.constant 0 : index
    %get3A_26 = arith.constant 2 : index
    %get3A_27 = vector.load %arg3[%get3A_24, %get3A_25, %get3A_26] : memref<1x128x3xf32, #tpu.memory_space<vmem>>, vector<1x128x1xf32>
    %get3A_28 = vector.shape_cast %get3A_27 : vector<1x128x1xf32> to vector<128x1xf32>
    %mul3A = arith.mulf %get3A_18, %get3A_18 : vector<128x1xf32>
    %mul3A_29 = arith.mulf %get3A_23, %get3A_23 : vector<128x1xf32>
    %add3A = arith.addf %mul3A, %mul3A_29 : vector<128x1xf32>
    %mul3A_30 = arith.mulf %get3A_28, %get3A_28 : vector<128x1xf32>
    %add3A_31 = arith.addf %add3A, %mul3A_30 : vector<128x1xf32>
    %mul3A_32 = arith.mulf %get3A_3, %get3A_3 : vector<1x8192xf32>
    %mul3A_33 = arith.mulf %get3A_8, %get3A_8 : vector<1x8192xf32>
    %add3A_34 = arith.addf %mul3A_32, %mul3A_33 : vector<1x8192xf32>
    %mul3A_35 = arith.mulf %get3A_13, %get3A_13 : vector<1x8192xf32>
    %add3A_36 = arith.addf %add3A_34, %mul3A_35 : vector<1x8192xf32>
    %get3A_37 = arith.constant 0 : index
    %get3A_38 = arith.constant 0 : index
    %get3A_39 = arith.constant 0 : index
    %get3A_40 = vector.load %arg3[%get3A_37, %get3A_38, %get3A_39] : memref<1x128x3xf32, #tpu.memory_space<vmem>>, vector<1x128x3xf32>
    %get3A_41 = vector.shape_cast %get3A_40 : vector<1x128x3xf32> to vector<128x3xf32>
    %get3A_42 = arith.constant 0 : index
    %get3A_43 = arith.constant 0 : index
    %get3A_44 = arith.constant 0 : index
    %get3A_45 = vector.load %arg2[%get3A_42, %get3A_43, %get3A_44] : memref<1x3x8192xf32, #tpu.memory_space<vmem>>, vector<1x3x8192xf32>
    %get3A_46 = vector.shape_cast %get3A_45 : vector<1x3x8192xf32> to vector<3x8192xf32>
    %dot_general3A = arith.constant dense<0.000000e+00> : vector<128x8192xf32>
    %dot_general3A_47 = tpu.matmul %get3A_41, %get3A_46, %dot_general3A {dimension_numbers = #tpu.dot_dimension_numbers<[1], [0], [0], [1], [0, 0, 1, 1], [], []>, transpose_lhs_hint = false} : vector<128x3xf32>, vector<3x8192xf32>, vector<128x8192xf32> -> vector<128x8192xf32>
    %add3A_48 = vector.broadcast %add3A_31 : vector<128x1xf32> to vector<128x8192xf32>
    %add3A_49 = vector.broadcast %add3A_36 : vector<1x8192xf32> to vector<128x8192xf32>
    %add3A_50 = arith.addf %add3A_48, %add3A_49 : vector<128x8192xf32>
    %mul3A_51 = arith.constant 2.000000e+00 : f32
    %mul3A_52 = vector.broadcast %mul3A_51 : f32 to vector<128x8192xf32>
    %mul3A_53 = arith.mulf %mul3A_52, %dot_general3A_47 : vector<128x8192xf32>
    %sub3A = arith.subf %add3A_50, %mul3A_53 : vector<128x8192xf32>
    %iota3A = tpu.iota {dimensions = array<i32: 1>} : vector<128x8192xi32>
    %convert_element_type3A = arith.sitofp %iota3A : vector<128x8192xi32> to vector<128x8192xf32>
    %le3A = arith.constant 4.000000e-02 : f32
    %le3A_54 = vector.broadcast %le3A : f32 to vector<128x8192xf32>
    %le3A_55 = arith.cmpf ole, %sub3A, %le3A_54 : vector<128x8192xf32>
    %convert_element_type3A_56 = arith.extui %le3A_55 : vector<128x8192xi1> to vector<128x8192xi32>
    %convert_element_type3A_57 = arith.sitofp %convert_element_type3A_56 : vector<128x8192xi32> to vector<128x8192xf32>
    %sub3A_58 = arith.constant 8.192000e+03 : f32
    %sub3A_59 = vector.broadcast %sub3A_58 : f32 to vector<128x8192xf32>
    %sub3A_60 = arith.subf %convert_element_type3A, %sub3A_59 : vector<128x8192xf32>
    %mul3A_61 = arith.mulf %convert_element_type3A_57, %sub3A_60 : vector<128x8192xf32>
    %add3A_62 = arith.constant 8.192000e+03 : f32
    %add3A_63 = vector.broadcast %add3A_62 : f32 to vector<128x8192xf32>
    %add3A_64 = arith.addf %add3A_63, %mul3A_61 : vector<128x8192xf32>
    %mul3A_65 = arith.constant 8192 : i32
    %mul3A_66 = arith.muli %arg0, %mul3A_65 : i32
    %broadcast_in_dim3A = arith.constant -1.000000e+00 : f32
    %broadcast_in_dim3A_67 = vector.broadcast %broadcast_in_dim3A : f32 to vector<128x1xf32>
    %add3A_68 = arith.constant 5.000000e-01 : f32
    %add3A_69 = vector.broadcast %add3A_68 : f32 to vector<128x1xf32>
    %add3A_70 = arith.addf %broadcast_in_dim3A_67, %add3A_69 : vector<128x1xf32>
    %sub3A_71 = vector.broadcast %add3A_70 : vector<128x1xf32> to vector<128x8192xf32>
    %sub3A_72 = arith.subf %sub3A_71, %add3A_64 : vector<128x8192xf32>
    %bitcast_convert_type3A = tpu.bitcast %sub3A_72 : vector<128x8192xf32> -> vector<128x8192xi32>
    %reduce_min3A = arith.constant dense<2147483647> : vector<128xi32>
    %reduce_min3A_73 = vector.multi_reduction <minsi>, %bitcast_convert_type3A, %reduce_min3A [1] : vector<128x8192xi32> to vector<128xi32>
    %broadcast_in_dim3A_74 = vector.shape_cast %reduce_min3A_73 : vector<128xi32> to vector<128x1xi32>
    %bitcast_convert_type3A_75 = tpu.bitcast %broadcast_in_dim3A_74 : vector<128x1xi32> -> vector<128x1xf32>
    %sub3A_76 = arith.subf %add3A_70, %bitcast_convert_type3A_75 : vector<128x1xf32>
    %eq3A = arith.constant 8.192000e+03 : f32
    %eq3A_77 = vector.broadcast %eq3A : f32 to vector<128x1xf32>
    %eq3A_78 = arith.cmpf oeq, %sub3A_76, %eq3A_77 : vector<128x1xf32>
    %jit3A = arith.constant 0.000000e+00 : f32
    %broadcast_in_dim3A_79 = vector.broadcast %jit3A : f32 to vector<128x1xf32>
    %select_n3A = arith.select %eq3A_78, %broadcast_in_dim3A_79, %sub3A_76 : vector<128x1xi1>, vector<128x1xf32>
    %convert_element_type3A_80 = arith.fptosi %select_n3A : vector<128x1xf32> to vector<128x1xi32>
    %add3A_81 = vector.broadcast %mul3A_66 : i32 to vector<128x1xi32>
    %add3A_82 = arith.addi %convert_element_type3A_80, %add3A_81 : vector<128x1xi32>
    %swap3A = arith.constant 0 : index
    %swap3A_83 = arith.constant 0 : index
    %swap3A_84 = arith.constant 0 : index
    %swap3A_85 = vector.load %arg4[%swap3A, %swap3A_83, %swap3A_84] : memref<1x128x32xi32, #tpu.memory_space<vmem>>, vector<1x128x1xi32>
    %swap3A_86 = vector.shape_cast %swap3A_85 : vector<1x128x1xi32> to vector<128x1xi32>
    %swap3A_87 = vector.shape_cast %add3A_82 : vector<128x1xi32> to vector<1x128x1xi32>
    tpu.vector_store %arg4[%swap3A, %swap3A_83, %swap3A_84], %swap3A_87 {strides = array<i32>} : memref<1x128x32xi32, #tpu.memory_space<vmem>>, vector<1x128x1xi32>,
    %add3A_88 = arith.constant 5.000000e-01 : f32
    %add3A_89 = vector.broadcast %add3A_88 : f32 to vector<128x1xf32>
    %add3A_90 = arith.addf %sub3A_76, %add3A_89 : vector<128x1xf32>
    %sub3A_91 = vector.broadcast %add3A_90 : vector<128x1xf32> to vector<128x8192xf32>
    %sub3A_92 = arith.subf %sub3A_91, %add3A_64 : vector<128x8192xf32>
    %bitcast_convert_type3A_93 = tpu.bitcast %sub3A_92 : vector<128x8192xf32> -> vector<128x8192xi32>
    %reduce_min3A_94 = arith.constant dense<2147483647> : vector<128xi32>
    %reduce_min3A_95 = vector.multi_reduction <minsi>, %bitcast_convert_type3A_93, %reduce_min3A_94 [1] : vector<128x8192xi32> to vector<128xi32>
    %broadcast_in_dim3A_96 = vector.shape_cast %reduce_min3A_95 : vector<128xi32> to vector<128x1xi32>
    %bitcast_convert_type3A_97 = tpu.bitcast %broadcast_in_dim3A_96 : vector<128x1xi32> -> vector<128x1xf32>
    %sub3A_98 = arith.subf %add3A_90, %bitcast_convert_type3A_97 : vector<128x1xf32>
    %eq3A_99 = arith.constant 8.192000e+03 : f32
    %eq3A_100 = vector.broadcast %eq3A_99 : f32 to vector<128x1xf32>
    %eq3A_101 = arith.cmpf oeq, %sub3A_98, %eq3A_100 : vector<128x1xf32>
    %select_n3A_102 = arith.select %eq3A_101, %select_n3A, %sub3A_98 : vector<128x1xi1>, vector<128x1xf32>
    %convert_element_type3A_103 = arith.fptosi %select_n3A_102 : vector<128x1xf32> to vector<128x1xi32>
    %add3A_104 = vector.broadcast %mul3A_66 : i32 to vector<128x1xi32>
    %add3A_105 = arith.addi %convert_element_type3A_103, %add3A_104 : vector<128x1xi32>
    %swap3A_106 = arith.constant 0 : index
    %swap3A_107 = arith.constant 0 : index
    %swap3A_108 = arith.constant 1 : index
    %swap3A_109 = vector.load %arg4[%swap3A_106, %swap3A_107, %swap3A_108] : memref<1x128x32xi32, #tpu.memory_space<vmem>>, vector<1x128x1xi32>
    %swap3A_110 = vector.shape_cast %swap3A_109 : vector<1x128x1xi32> to vector<128x1xi32>
    %swap3A_111 = vector.shape_cast %add3A_105 : vector<128x1xi32> to vector<1x128x1xi32>
    tpu.vector_store %arg4[%swap3A_106, %swap3A_107, %swap3A_108], %swap3A_111 {strides = array<i32>} : memref<1x128x32xi32, #tpu.memory_space<vmem>>, vector<1x128x1xi32>,
    %add3A_112 = arith.constant 5.000000e-01 : f32
    %add3A_113 = vector.broadcast %add3A_112 : f32 to vector<128x1xf32>
    %add3A_114 = arith.addf %sub3A_98, %add3A_113 : vector<128x1xf32>
    %sub3A_115 = vector.broadcast %add3A_114 : vector<128x1xf32> to vector<128x8192xf32>
    %sub3A_116 = arith.subf %sub3A_115, %add3A_64 : vector<128x8192xf32>
    %bitcast_convert_type3A_117 = tpu.bitcast %sub3A_116 : vector<128x8192xf32> -> vector<128x8192xi32>
    %reduce_min3A_118 = arith.constant dense<2147483647> : vector<128xi32>
    %reduce_min3A_119 = vector.multi_reduction <minsi>, %bitcast_convert_type3A_117, %reduce_min3A_118 [1] : vector<128x8192xi32> to vector<128xi32>
    %broadcast_in_dim3A_120 = vector.shape_cast %reduce_min3A_119 : vector<128xi32> to vector<128x1xi32>
    %bitcast_convert_type3A_121 = tpu.bitcast %broadcast_in_dim3A_120 : vector<128x1xi32> -> vector<128x1xf32>
    %sub3A_122 = arith.subf %add3A_114, %bitcast_convert_type3A_121 : vector<128x1xf32>
    %eq3A_123 = arith.constant 8.192000e+03 : f32
    %eq3A_124 = vector.broadcast %eq3A_123 : f32 to vector<128x1xf32>
    %eq3A_125 = arith.cmpf oeq, %sub3A_122, %eq3A_124 : vector<128x1xf32>
    %select_n3A_126 = arith.select %eq3A_125, %select_n3A, %sub3A_122 : vector<128x1xi1>, vector<128x1xf32>
    %convert_element_type3A_127 = arith.fptosi %select_n3A_126 : vector<128x1xf32> to vector<128x1xi32>
    %add3A_128 = vector.broadcast %mul3A_66 : i32 to vector<128x1xi32>
    %add3A_129 = arith.addi %convert_element_type3A_127, %add3A_128 : vector<128x1xi32>
    %swap3A_130 = arith.constant 0 : index
    %swap3A_131 = arith.constant 0 : index
    %swap3A_132 = arith.constant 2 : index
    %swap3A_133 = vector.load %arg4[%swap3A_130, %swap3A_131, %swap3A_132] : memref<1x128x32xi32, #tpu.memory_space<vmem>>, vector<1x128x1xi32>
    %swap3A_134 = vector.shape_cast %swap3A_133 : vector<1x128x1xi32> to vector<128x1xi32>
    %swap3A_135 = vector.shape_cast %add3A_129 : vector<128x1xi32> to vector<1x128x1xi32>
    tpu.vector_store %arg4[%swap3A_130, %swap3A_131, %swap3A_132], %swap3A_135 {strides = array<i32>} : memref<1x128x32xi32, #tpu.memory_space<vmem>>, vector<1x128x1xi32>,
    %add3A_136 = arith.constant 5.000000e-01 : f32
    %add3A_137 = vector.broadcast %add3A_136 : f32 to vector<128x1xf32>
    %add3A_138 = arith.addf %sub3A_122, %add3A_137 : vector<128x1xf32>
    %sub3A_139 = vector.broadcast %add3A_138 : vector<128x1xf32> to vector<128x8192xf32>
    %sub3A_140 = arith.subf %sub3A_139, %add3A_64 : vector<128x8192xf32>
    %bitcast_convert_type3A_141 = tpu.bitcast %sub3A_140 : vector<128x8192xf32> -> vector<128x8192xi32>
    %reduce_min3A_142 = arith.constant dense<2147483647> : vector<128xi32>
    %reduce_min3A_143 = vector.multi_reduction <minsi>, %bitcast_convert_type3A_141, %reduce_min3A_142 [1] : vector<128x8192xi32> to vector<128xi32>
    %broadcast_in_dim3A_144 = vector.shape_cast %reduce_min3A_143 : vector<128xi32> to vector<128x1xi32>
    %bitcast_convert_type3A_145 = tpu.bitcast %broadcast_in_dim3A_144 : vector<128x1xi32> -> vector<128x1xf32>
    %sub3A_146 = arith.subf %add3A_138, %bitcast_convert_type3A_145 : vector<128x1xf32>
    %eq3A_147 = arith.constant 8.192000e+03 : f32
    %eq3A_148 = vector.broadcast %eq3A_147 : f32 to vector<128x1xf32>
    %eq3A_149 = arith.cmpf oeq, %sub3A_146, %eq3A_148 : vector<128x1xf32>
    %select_n3A_150 = arith.select %eq3A_149, %select_n3A, %sub3A_146 : vector<128x1xi1>, vector<128x1xf32>
    %convert_element_type3A_151 = arith.fptosi %select_n3A_150 : vector<128x1xf32> to vector<128x1xi32>
    %add3A_152 = vector.broadcast %mul3A_66 : i32 to vector<128x1xi32>
    %add3A_153 = arith.addi %convert_element_type3A_151, %add3A_152 : vector<128x1xi32>
    %swap3A_154 = arith.constant 0 : index
    %swap3A_155 = arith.constant 0 : index
    %swap3A_156 = arith.constant 3 : index
    %swap3A_157 = vector.load %arg4[%swap3A_154, %swap3A_155, %swap3A_156] : memref<1x128x32xi32, #tpu.memory_space<vmem>>, vector<1x128x1xi32>
    %swap3A_158 = vector.shape_cast %swap3A_157 : vector<1x128x1xi32> to vector<128x1xi32>
    %swap3A_159 = vector.shape_cast %add3A_153 : vector<128x1xi32> to vector<1x128x1xi32>
    tpu.vector_store %arg4[%swap3A_154, %swap3A_155, %swap3A_156], %swap3A_159 {strides = array<i32>} : memref<1x128x32xi32, #tpu.memory_space<vmem>>, vector<1x128x1xi32>,
    %add3A_160 = arith.constant 5.000000e-01 : f32
    %add3A_161 = vector.broadcast %add3A_160 : f32 to vector<128x1xf32>
    %add3A_162 = arith.addf %sub3A_146, %add3A_161 : vector<128x1xf32>
    %sub3A_163 = vector.broadcast %add3A_162 : vector<128x1xf32> to vector<128x8192xf32>
    %sub3A_164 = arith.subf %sub3A_163, %add3A_64 : vector<128x8192xf32>
    %bitcast_convert_type3A_165 = tpu.bitcast %sub3A_164 : vector<128x8192xf32> -> vector<128x8192xi32>
    %reduce_min3A_166 = arith.constant dense<2147483647> : vector<128xi32>
    %reduce_min3A_167 = vector.multi_reduction <minsi>, %bitcast_convert_type3A_165, %reduce_min3A_166 [1] : vector<128x8192xi32> to vector<128xi32>
    %broadcast_in_dim3A_168 = vector.shape_cast %reduce_min3A_167 : vector<128xi32> to vector<128x1xi32>
    %bitcast_convert_type3A_169 = tpu.bitcast %broadcast_in_dim3A_168 : vector<128x1xi32> -> vector<128x1xf32>
    %sub3A_170 = arith.subf %add3A_162, %bitcast_convert_type3A_169 : vector<128x1xf32>
    %eq3A_171 = arith.constant 8.192000e+03 : f32
    %eq3A_172 = vector.broadcast %eq3A_171 : f32 to vector<128x1xf32>
    %eq3A_173 = arith.cmpf oeq, %sub3A_170, %eq3A_172 : vector<128x1xf32>
    %select_n3A_174 = arith.select %eq3A_173, %select_n3A, %sub3A_170 : vector<128x1xi1>, vector<128x1xf32>
    %convert_element_type3A_175 = arith.fptosi %select_n3A_174 : vector<128x1xf32> to vector<128x1xi32>
    %add3A_176 = vector.broadcast %mul3A_66 : i32 to vector<128x1xi32>
    %add3A_177 = arith.addi %convert_element_type3A_175, %add3A_176 : vector<128x1xi32>
    %swap3A_178 = arith.constant 0 : index
    %swap3A_179 = arith.constant 0 : index
    %swap3A_180 = arith.constant 4 : index
    %swap3A_181 = vector.load %arg4[%swap3A_178, %swap3A_179, %swap3A_180] : memref<1x128x32xi32, #tpu.memory_space<vmem>>, vector<1x128x1xi32>
    %swap3A_182 = vector.shape_cast %swap3A_181 : vector<1x128x1xi32> to vector<128x1xi32>
    %swap3A_183 = vector.shape_cast %add3A_177 : vector<128x1xi32> to vector<1x128x1xi32>
    tpu.vector_store %arg4[%swap3A_178, %swap3A_179, %swap3A_180], %swap3A_183 {strides = array<i32>} : memref<1x128x32xi32, #tpu.memory_space<vmem>>, vector<1x128x1xi32>,
    %add3A_184 = arith.constant 5.000000e-01 : f32
    %add3A_185 = vector.broadcast %add3A_184 : f32 to vector<128x1xf32>
    %add3A_186 = arith.addf %sub3A_170, %add3A_185 : vector<128x1xf32>
    %sub3A_187 = vector.broadcast %add3A_186 : vector<128x1xf32> to vector<128x8192xf32>
    %sub3A_188 = arith.subf %sub3A_187, %add3A_64 : vector<128x8192xf32>
    %bitcast_convert_type3A_189 = tpu.bitcast %sub3A_188 : vector<128x8192xf32> -> vector<128x8192xi32>
    %reduce_min3A_190 = arith.constant dense<2147483647> : vector<128xi32>
    %reduce_min3A_191 = vector.multi_reduction <minsi>, %bitcast_convert_type3A_189, %reduce_min3A_190 [1] : vector<128x8192xi32> to vector<128xi32>
    %broadcast_in_dim3A_192 = vector.shape_cast %reduce_min3A_191 : vector<128xi32> to vector<128x1xi32>
    %bitcast_convert_type3A_193 = tpu.bitcast %broadcast_in_dim3A_192 : vector<128x1xi32> -> vector<128x1xf32>
    %sub3A_194 = arith.subf %add3A_186, %bitcast_convert_type3A_193 : vector<128x1xf32>
    %eq3A_195 = arith.constant 8.192000e+03 : f32
    %eq3A_196 = vector.broadcast %eq3A_195 : f32 to vector<128x1xf32>
    %eq3A_197 = arith.cmpf oeq, %sub3A_194, %eq3A_196 : vector<128x1xf32>
    %select_n3A_198 = arith.select %eq3A_197, %select_n3A, %sub3A_194 : vector<128x1xi1>, vector<128x1xf32>
    %convert_element_type3A_199 = arith.fptosi %select_n3A_198 : vector<128x1xf32> to vector<128x1xi32>
    %add3A_200 = vector.broadcast %mul3A_66 : i32 to vector<128x1xi32>
    %add3A_201 = arith.addi %convert_element_type3A_199, %add3A_200 : vector<128x1xi32>
    %swap3A_202 = arith.constant 0 : index
    %swap3A_203 = arith.constant 0 : index
    %swap3A_204 = arith.constant 5 : index
    %swap3A_205 = vector.load %arg4[%swap3A_202, %swap3A_203, %swap3A_204] : memref<1x128x32xi32, #tpu.memory_space<vmem>>, vector<1x128x1xi32>
    %swap3A_206 = vector.shape_cast %swap3A_205 : vector<1x128x1xi32> to vector<128x1xi32>
    %swap3A_207 = vector.shape_cast %add3A_201 : vector<128x1xi32> to vector<1x128x1xi32>
    tpu.vector_store %arg4[%swap3A_202, %swap3A_203, %swap3A_204], %swap3A_207 {strides = array<i32>} : memref<1x128x32xi32, #tpu.memory_space<vmem>>, vector<1x128x1xi32>,
    %add3A_208 = arith.constant 5.000000e-01 : f32
    %add3A_209 = vector.broadcast %add3A_208 : f32 to vector<128x1xf32>
    %add3A_210 = arith.addf %sub3A_194, %add3A_209 : vector<128x1xf32>
    %sub3A_211 = vector.broadcast %add3A_210 : vector<128x1xf32> to vector<128x8192xf32>
    %sub3A_212 = arith.subf %sub3A_211, %add3A_64 : vector<128x8192xf32>
    %bitcast_convert_type3A_213 = tpu.bitcast %sub3A_212 : vector<128x8192xf32> -> vector<128x8192xi32>
    %reduce_min3A_214 = arith.constant dense<2147483647> : vector<128xi32>
    %reduce_min3A_215 = vector.multi_reduction <minsi>, %bitcast_convert_type3A_213, %reduce_min3A_214 [1] : vector<128x8192xi32> to vector<128xi32>
    %broadcast_in_dim3A_216 = vector.shape_cast %reduce_min3A_215 : vector<128xi32> to vector<128x1xi32>
    %bitcast_convert_type3A_217 = tpu.bitcast %broadcast_in_dim3A_216 : vector<128x1xi32> -> vector<128x1xf32>
    %sub3A_218 = arith.subf %add3A_210, %bitcast_convert_type3A_217 : vector<128x1xf32>
    %eq3A_219 = arith.constant 8.192000e+03 : f32
    %eq3A_220 = vector.broadcast %eq3A_219 : f32 to vector<128x1xf32>
    %eq3A_221 = arith.cmpf oeq, %sub3A_218, %eq3A_220 : vector<128x1xf32>
    %select_n3A_222 = arith.select %eq3A_221, %select_n3A, %sub3A_218 : vector<128x1xi1>, vector<128x1xf32>
    %convert_element_type3A_223 = arith.fptosi %select_n3A_222 : vector<128x1xf32> to vector<128x1xi32>
    %add3A_224 = vector.broadcast %mul3A_66 : i32 to vector<128x1xi32>
    %add3A_225 = arith.addi %convert_element_type3A_223, %add3A_224 : vector<128x1xi32>
    %swap3A_226 = arith.constant 0 : index
    %swap3A_227 = arith.constant 0 : index
    %swap3A_228 = arith.constant 6 : index
    %swap3A_229 = vector.load %arg4[%swap3A_226, %swap3A_227, %swap3A_228] : memref<1x128x32xi32, #tpu.memory_space<vmem>>, vector<1x128x1xi32>
    %swap3A_230 = vector.shape_cast %swap3A_229 : vector<1x128x1xi32> to vector<128x1xi32>
    %swap3A_231 = vector.shape_cast %add3A_225 : vector<128x1xi32> to vector<1x128x1xi32>
    tpu.vector_store %arg4[%swap3A_226, %swap3A_227, %swap3A_228], %swap3A_231 {strides = array<i32>} : memref<1x128x32xi32, #tpu.memory_space<vmem>>, vector<1x128x1xi32>,
    %add3A_232 = arith.constant 5.000000e-01 : f32
    %add3A_233 = vector.broadcast %add3A_232 : f32 to vector<128x1xf32>
    %add3A_234 = arith.addf %sub3A_218, %add3A_233 : vector<128x1xf32>
    %sub3A_235 = vector.broadcast %add3A_234 : vector<128x1xf32> to vector<128x8192xf32>
    %sub3A_236 = arith.subf %sub3A_235, %add3A_64 : vector<128x8192xf32>
    %bitcast_convert_type3A_237 = tpu.bitcast %sub3A_236 : vector<128x8192xf32> -> vector<128x8192xi32>
    %reduce_min3A_238 = arith.constant dense<2147483647> : vector<128xi32>
    %reduce_min3A_239 = vector.multi_reduction <minsi>, %bitcast_convert_type3A_237, %reduce_min3A_238 [1] : vector<128x8192xi32> to vector<128xi32>
    %broadcast_in_dim3A_240 = vector.shape_cast %reduce_min3A_239 : vector<128xi32> to vector<128x1xi32>
    %bitcast_convert_type3A_241 = tpu.bitcast %broadcast_in_dim3A_240 : vector<128x1xi32> -> vector<128x1xf32>
    %sub3A_242 = arith.subf %add3A_234, %bitcast_convert_type3A_241 : vector<128x1xf32>
    %eq3A_243 = arith.constant 8.192000e+03 : f32
    %eq3A_244 = vector.broadcast %eq3A_243 : f32 to vector<128x1xf32>
    %eq3A_245 = arith.cmpf oeq, %sub3A_242, %eq3A_244 : vector<128x1xf32>
    %select_n3A_246 = arith.select %eq3A_245, %select_n3A, %sub3A_242 : vector<128x1xi1>, vector<128x1xf32>
    %convert_element_type3A_247 = arith.fptosi %select_n3A_246 : vector<128x1xf32> to vector<128x1xi32>
    %add3A_248 = vector.broadcast %mul3A_66 : i32 to vector<128x1xi32>
    %add3A_249 = arith.addi %convert_element_type3A_247, %add3A_248 : vector<128x1xi32>
    %swap3A_250 = arith.constant 0 : index
    %swap3A_251 = arith.constant 0 : index
    %swap3A_252 = arith.constant 7 : index
    %swap3A_253 = vector.load %arg4[%swap3A_250, %swap3A_251, %swap3A_252] : memref<1x128x32xi32, #tpu.memory_space<vmem>>, vector<1x128x1xi32>
    %swap3A_254 = vector.shape_cast %swap3A_253 : vector<1x128x1xi32> to vector<128x1xi32>
    %swap3A_255 = vector.shape_cast %add3A_249 : vector<128x1xi32> to vector<1x128x1xi32>
    tpu.vector_store %arg4[%swap3A_250, %swap3A_251, %swap3A_252], %swap3A_255 {strides = array<i32>} : memref<1x128x32xi32, #tpu.memory_space<vmem>>, vector<1x128x1xi32>,
    %add3A_256 = arith.constant 5.000000e-01 : f32
    %add3A_257 = vector.broadcast %add3A_256 : f32 to vector<128x1xf32>
    %add3A_258 = arith.addf %sub3A_242, %add3A_257 : vector<128x1xf32>
    %sub3A_259 = vector.broadcast %add3A_258 : vector<128x1xf32> to vector<128x8192xf32>
    %sub3A_260 = arith.subf %sub3A_259, %add3A_64 : vector<128x8192xf32>
    %bitcast_convert_type3A_261 = tpu.bitcast %sub3A_260 : vector<128x8192xf32> -> vector<128x8192xi32>
    %reduce_min3A_262 = arith.constant dense<2147483647> : vector<128xi32>
    %reduce_min3A_263 = vector.multi_reduction <minsi>, %bitcast_convert_type3A_261, %reduce_min3A_262 [1] : vector<128x8192xi32> to vector<128xi32>
    %broadcast_in_dim3A_264 = vector.shape_cast %reduce_min3A_263 : vector<128xi32> to vector<128x1xi32>
    %bitcast_convert_type3A_265 = tpu.bitcast %broadcast_in_dim3A_264 : vector<128x1xi32> -> vector<128x1xf32>
    %sub3A_266 = arith.subf %add3A_258, %bitcast_convert_type3A_265 : vector<128x1xf32>
    %eq3A_267 = arith.constant 8.192000e+03 : f32
    %eq3A_268 = vector.broadcast %eq3A_267 : f32 to vector<128x1xf32>
    %eq3A_269 = arith.cmpf oeq, %sub3A_266, %eq3A_268 : vector<128x1xf32>
    %select_n3A_270 = arith.select %eq3A_269, %select_n3A, %sub3A_266 : vector<128x1xi1>, vector<128x1xf32>
    %convert_element_type3A_271 = arith.fptosi %select_n3A_270 : vector<128x1xf32> to vector<128x1xi32>
    %add3A_272 = vector.broadcast %mul3A_66 : i32 to vector<128x1xi32>
    %add3A_273 = arith.addi %convert_element_type3A_271, %add3A_272 : vector<128x1xi32>
    %swap3A_274 = arith.constant 0 : index
    %swap3A_275 = arith.constant 0 : index
    %swap3A_276 = arith.constant 8 : index
    %swap3A_277 = vector.load %arg4[%swap3A_274, %swap3A_275, %swap3A_276] : memref<1x128x32xi32, #tpu.memory_space<vmem>>, vector<1x128x1xi32>
    %swap3A_278 = vector.shape_cast %swap3A_277 : vector<1x128x1xi32> to vector<128x1xi32>
    %swap3A_279 = vector.shape_cast %add3A_273 : vector<128x1xi32> to vector<1x128x1xi32>
    tpu.vector_store %arg4[%swap3A_274, %swap3A_275, %swap3A_276], %swap3A_279 {strides = array<i32>} : memref<1x128x32xi32, #tpu.memory_space<vmem>>, vector<1x128x1xi32>,
    %add3A_280 = arith.constant 5.000000e-01 : f32
    %add3A_281 = vector.broadcast %add3A_280 : f32 to vector<128x1xf32>
    %add3A_282 = arith.addf %sub3A_266, %add3A_281 : vector<128x1xf32>
    %sub3A_283 = vector.broadcast %add3A_282 : vector<128x1xf32> to vector<128x8192xf32>
    %sub3A_284 = arith.subf %sub3A_283, %add3A_64 : vector<128x8192xf32>
    %bitcast_convert_type3A_285 = tpu.bitcast %sub3A_284 : vector<128x8192xf32> -> vector<128x8192xi32>
    %reduce_min3A_286 = arith.constant dense<2147483647> : vector<128xi32>
    %reduce_min3A_287 = vector.multi_reduction <minsi>, %bitcast_convert_type3A_285, %reduce_min3A_286 [1] : vector<128x8192xi32> to vector<128xi32>
    %broadcast_in_dim3A_288 = vector.shape_cast %reduce_min3A_287 : vector<128xi32> to vector<128x1xi32>
    %bitcast_convert_type3A_289 = tpu.bitcast %broadcast_in_dim3A_288 : vector<128x1xi32> -> vector<128x1xf32>
    %sub3A_290 = arith.subf %add3A_282, %bitcast_convert_type3A_289 : vector<128x1xf32>
    %eq3A_291 = arith.constant 8.192000e+03 : f32
    %eq3A_292 = vector.broadcast %eq3A_291 : f32 to vector<128x1xf32>
    %eq3A_293 = arith.cmpf oeq, %sub3A_290, %eq3A_292 : vector<128x1xf32>
    %select_n3A_294 = arith.select %eq3A_293, %select_n3A, %sub3A_290 : vector<128x1xi1>, vector<128x1xf32>
    %convert_element_type3A_295 = arith.fptosi %select_n3A_294 : vector<128x1xf32> to vector<128x1xi32>
    %add3A_296 = vector.broadcast %mul3A_66 : i32 to vector<128x1xi32>
    %add3A_297 = arith.addi %convert_element_type3A_295, %add3A_296 : vector<128x1xi32>
    %swap3A_298 = arith.constant 0 : index
    %swap3A_299 = arith.constant 0 : index
    %swap3A_300 = arith.constant 9 : index
    %swap3A_301 = vector.load %arg4[%swap3A_298, %swap3A_299, %swap3A_300] : memref<1x128x32xi32, #tpu.memory_space<vmem>>, vector<1x128x1xi32>
    %swap3A_302 = vector.shape_cast %swap3A_301 : vector<1x128x1xi32> to vector<128x1xi32>
    %swap3A_303 = vector.shape_cast %add3A_297 : vector<128x1xi32> to vector<1x128x1xi32>
    tpu.vector_store %arg4[%swap3A_298, %swap3A_299, %swap3A_300], %swap3A_303 {strides = array<i32>} : memref<1x128x32xi32, #tpu.memory_space<vmem>>, vector<1x128x1xi32>,
    %add3A_304 = arith.constant 5.000000e-01 : f32
    %add3A_305 = vector.broadcast %add3A_304 : f32 to vector<128x1xf32>
    %add3A_306 = arith.addf %sub3A_290, %add3A_305 : vector<128x1xf32>
    %sub3A_307 = vector.broadcast %add3A_306 : vector<128x1xf32> to vector<128x8192xf32>
    %sub3A_308 = arith.subf %sub3A_307, %add3A_64 : vector<128x8192xf32>
    %bitcast_convert_type3A_309 = tpu.bitcast %sub3A_308 : vector<128x8192xf32> -> vector<128x8192xi32>
    %reduce_min3A_310 = arith.constant dense<2147483647> : vector<128xi32>
    %reduce_min3A_311 = vector.multi_reduction <minsi>, %bitcast_convert_type3A_309, %reduce_min3A_310 [1] : vector<128x8192xi32> to vector<128xi32>
    %broadcast_in_dim3A_312 = vector.shape_cast %reduce_min3A_311 : vector<128xi32> to vector<128x1xi32>
    %bitcast_convert_type3A_313 = tpu.bitcast %broadcast_in_dim3A_312 : vector<128x1xi32> -> vector<128x1xf32>
    %sub3A_314 = arith.subf %add3A_306, %bitcast_convert_type3A_313 : vector<128x1xf32>
    %eq3A_315 = arith.constant 8.192000e+03 : f32
    %eq3A_316 = vector.broadcast %eq3A_315 : f32 to vector<128x1xf32>
    %eq3A_317 = arith.cmpf oeq, %sub3A_314, %eq3A_316 : vector<128x1xf32>
    %select_n3A_318 = arith.select %eq3A_317, %select_n3A, %sub3A_314 : vector<128x1xi1>, vector<128x1xf32>
    %convert_element_type3A_319 = arith.fptosi %select_n3A_318 : vector<128x1xf32> to vector<128x1xi32>
    %add3A_320 = vector.broadcast %mul3A_66 : i32 to vector<128x1xi32>
    %add3A_321 = arith.addi %convert_element_type3A_319, %add3A_320 : vector<128x1xi32>
    %swap3A_322 = arith.constant 0 : index
    %swap3A_323 = arith.constant 0 : index
    %swap3A_324 = arith.constant 10 : index
    %swap3A_325 = vector.load %arg4[%swap3A_322, %swap3A_323, %swap3A_324] : memref<1x128x32xi32, #tpu.memory_space<vmem>>, vector<1x128x1xi32>
    %swap3A_326 = vector.shape_cast %swap3A_325 : vector<1x128x1xi32> to vector<128x1xi32>
    %swap3A_327 = vector.shape_cast %add3A_321 : vector<128x1xi32> to vector<1x128x1xi32>
    tpu.vector_store %arg4[%swap3A_322, %swap3A_323, %swap3A_324], %swap3A_327 {strides = array<i32>} : memref<1x128x32xi32, #tpu.memory_space<vmem>>, vector<1x128x1xi32>,
    %add3A_328 = arith.constant 5.000000e-01 : f32
    %add3A_329 = vector.broadcast %add3A_328 : f32 to vector<128x1xf32>
    %add3A_330 = arith.addf %sub3A_314, %add3A_329 : vector<128x1xf32>
    %sub3A_331 = vector.broadcast %add3A_330 : vector<128x1xf32> to vector<128x8192xf32>
    %sub3A_332 = arith.subf %sub3A_331, %add3A_64 : vector<128x8192xf32>
    %bitcast_convert_type3A_333 = tpu.bitcast %sub3A_332 : vector<128x8192xf32> -> vector<128x8192xi32>
    %reduce_min3A_334 = arith.constant dense<2147483647> : vector<128xi32>
    %reduce_min3A_335 = vector.multi_reduction <minsi>, %bitcast_convert_type3A_333, %reduce_min3A_334 [1] : vector<128x8192xi32> to vector<128xi32>
    %broadcast_in_dim3A_336 = vector.shape_cast %reduce_min3A_335 : vector<128xi32> to vector<128x1xi32>
    %bitcast_convert_type3A_337 = tpu.bitcast %broadcast_in_dim3A_336 : vector<128x1xi32> -> vector<128x1xf32>
    %sub3A_338 = arith.subf %add3A_330, %bitcast_convert_type3A_337 : vector<128x1xf32>
    %eq3A_339 = arith.constant 8.192000e+03 : f32
    %eq3A_340 = vector.broadcast %eq3A_339 : f32 to vector<128x1xf32>
    %eq3A_341 = arith.cmpf oeq, %sub3A_338, %eq3A_340 : vector<128x1xf32>
    %select_n3A_342 = arith.select %eq3A_341, %select_n3A, %sub3A_338 : vector<128x1xi1>, vector<128x1xf32>
    %convert_element_type3A_343 = arith.fptosi %select_n3A_342 : vector<128x1xf32> to vector<128x1xi32>
    %add3A_344 = vector.broadcast %mul3A_66 : i32 to vector<128x1xi32>
    %add3A_345 = arith.addi %convert_element_type3A_343, %add3A_344 : vector<128x1xi32>
    %swap3A_346 = arith.constant 0 : index
    %swap3A_347 = arith.constant 0 : index
    %swap3A_348 = arith.constant 11 : index
    %swap3A_349 = vector.load %arg4[%swap3A_346, %swap3A_347, %swap3A_348] : memref<1x128x32xi32, #tpu.memory_space<vmem>>, vector<1x128x1xi32>
    %swap3A_350 = vector.shape_cast %swap3A_349 : vector<1x128x1xi32> to vector<128x1xi32>
    %swap3A_351 = vector.shape_cast %add3A_345 : vector<128x1xi32> to vector<1x128x1xi32>
    tpu.vector_store %arg4[%swap3A_346, %swap3A_347, %swap3A_348], %swap3A_351 {strides = array<i32>} : memref<1x128x32xi32, #tpu.memory_space<vmem>>, vector<1x128x1xi32>,
    %add3A_352 = arith.constant 5.000000e-01 : f32
    %add3A_353 = vector.broadcast %add3A_352 : f32 to vector<128x1xf32>
    %add3A_354 = arith.addf %sub3A_338, %add3A_353 : vector<128x1xf32>
    %sub3A_355 = vector.broadcast %add3A_354 : vector<128x1xf32> to vector<128x8192xf32>
    %sub3A_356 = arith.subf %sub3A_355, %add3A_64 : vector<128x8192xf32>
    %bitcast_convert_type3A_357 = tpu.bitcast %sub3A_356 : vector<128x8192xf32> -> vector<128x8192xi32>
    %reduce_min3A_358 = arith.constant dense<2147483647> : vector<128xi32>
    %reduce_min3A_359 = vector.multi_reduction <minsi>, %bitcast_convert_type3A_357, %reduce_min3A_358 [1] : vector<128x8192xi32> to vector<128xi32>
    %broadcast_in_dim3A_360 = vector.shape_cast %reduce_min3A_359 : vector<128xi32> to vector<128x1xi32>
    %bitcast_convert_type3A_361 = tpu.bitcast %broadcast_in_dim3A_360 : vector<128x1xi32> -> vector<128x1xf32>
    %sub3A_362 = arith.subf %add3A_354, %bitcast_convert_type3A_361 : vector<128x1xf32>
    %eq3A_363 = arith.constant 8.192000e+03 : f32
    %eq3A_364 = vector.broadcast %eq3A_363 : f32 to vector<128x1xf32>
    %eq3A_365 = arith.cmpf oeq, %sub3A_362, %eq3A_364 : vector<128x1xf32>
    %select_n3A_366 = arith.select %eq3A_365, %select_n3A, %sub3A_362 : vector<128x1xi1>, vector<128x1xf32>
    %convert_element_type3A_367 = arith.fptosi %select_n3A_366 : vector<128x1xf32> to vector<128x1xi32>
    %add3A_368 = vector.broadcast %mul3A_66 : i32 to vector<128x1xi32>
    %add3A_369 = arith.addi %convert_element_type3A_367, %add3A_368 : vector<128x1xi32>
    %swap3A_370 = arith.constant 0 : index
    %swap3A_371 = arith.constant 0 : index
    %swap3A_372 = arith.constant 12 : index
    %swap3A_373 = vector.load %arg4[%swap3A_370, %swap3A_371, %swap3A_372] : memref<1x128x32xi32, #tpu.memory_space<vmem>>, vector<1x128x1xi32>
    %swap3A_374 = vector.shape_cast %swap3A_373 : vector<1x128x1xi32> to vector<128x1xi32>
    %swap3A_375 = vector.shape_cast %add3A_369 : vector<128x1xi32> to vector<1x128x1xi32>
    tpu.vector_store %arg4[%swap3A_370, %swap3A_371, %swap3A_372], %swap3A_375 {strides = array<i32>} : memref<1x128x32xi32, #tpu.memory_space<vmem>>, vector<1x128x1xi32>,
    %add3A_376 = arith.constant 5.000000e-01 : f32
    %add3A_377 = vector.broadcast %add3A_376 : f32 to vector<128x1xf32>
    %add3A_378 = arith.addf %sub3A_362, %add3A_377 : vector<128x1xf32>
    %sub3A_379 = vector.broadcast %add3A_378 : vector<128x1xf32> to vector<128x8192xf32>
    %sub3A_380 = arith.subf %sub3A_379, %add3A_64 : vector<128x8192xf32>
    %bitcast_convert_type3A_381 = tpu.bitcast %sub3A_380 : vector<128x8192xf32> -> vector<128x8192xi32>
    %reduce_min3A_382 = arith.constant dense<2147483647> : vector<128xi32>
    %reduce_min3A_383 = vector.multi_reduction <minsi>, %bitcast_convert_type3A_381, %reduce_min3A_382 [1] : vector<128x8192xi32> to vector<128xi32>
    %broadcast_in_dim3A_384 = vector.shape_cast %reduce_min3A_383 : vector<128xi32> to vector<128x1xi32>
    %bitcast_convert_type3A_385 = tpu.bitcast %broadcast_in_dim3A_384 : vector<128x1xi32> -> vector<128x1xf32>
    %sub3A_386 = arith.subf %add3A_378, %bitcast_convert_type3A_385 : vector<128x1xf32>
    %eq3A_387 = arith.constant 8.192000e+03 : f32
    %eq3A_388 = vector.broadcast %eq3A_387 : f32 to vector<128x1xf32>
    %eq3A_389 = arith.cmpf oeq, %sub3A_386, %eq3A_388 : vector<128x1xf32>
    %select_n3A_390 = arith.select %eq3A_389, %select_n3A, %sub3A_386 : vector<128x1xi1>, vector<128x1xf32>
    %convert_element_type3A_391 = arith.fptosi %select_n3A_390 : vector<128x1xf32> to vector<128x1xi32>
    %add3A_392 = vector.broadcast %mul3A_66 : i32 to vector<128x1xi32>
    %add3A_393 = arith.addi %convert_element_type3A_391, %add3A_392 : vector<128x1xi32>
    %swap3A_394 = arith.constant 0 : index
    %swap3A_395 = arith.constant 0 : index
    %swap3A_396 = arith.constant 13 : index
    %swap3A_397 = vector.load %arg4[%swap3A_394, %swap3A_395, %swap3A_396] : memref<1x128x32xi32, #tpu.memory_space<vmem>>, vector<1x128x1xi32>
    %swap3A_398 = vector.shape_cast %swap3A_397 : vector<1x128x1xi32> to vector<128x1xi32>
    %swap3A_399 = vector.shape_cast %add3A_393 : vector<128x1xi32> to vector<1x128x1xi32>
    tpu.vector_store %arg4[%swap3A_394, %swap3A_395, %swap3A_396], %swap3A_399 {strides = array<i32>} : memref<1x128x32xi32, #tpu.memory_space<vmem>>, vector<1x128x1xi32>,
    %add3A_400 = arith.constant 5.000000e-01 : f32
    %add3A_401 = vector.broadcast %add3A_400 : f32 to vector<128x1xf32>
    %add3A_402 = arith.addf %sub3A_386, %add3A_401 : vector<128x1xf32>
    %sub3A_403 = vector.broadcast %add3A_402 : vector<128x1xf32> to vector<128x8192xf32>
    %sub3A_404 = arith.subf %sub3A_403, %add3A_64 : vector<128x8192xf32>
    %bitcast_convert_type3A_405 = tpu.bitcast %sub3A_404 : vector<128x8192xf32> -> vector<128x8192xi32>
    %reduce_min3A_406 = arith.constant dense<2147483647> : vector<128xi32>
    %reduce_min3A_407 = vector.multi_reduction <minsi>, %bitcast_convert_type3A_405, %reduce_min3A_406 [1] : vector<128x8192xi32> to vector<128xi32>
    %broadcast_in_dim3A_408 = vector.shape_cast %reduce_min3A_407 : vector<128xi32> to vector<128x1xi32>
    %bitcast_convert_type3A_409 = tpu.bitcast %broadcast_in_dim3A_408 : vector<128x1xi32> -> vector<128x1xf32>
    %sub3A_410 = arith.subf %add3A_402, %bitcast_convert_type3A_409 : vector<128x1xf32>
    %eq3A_411 = arith.constant 8.192000e+03 : f32
    %eq3A_412 = vector.broadcast %eq3A_411 : f32 to vector<128x1xf32>
    %eq3A_413 = arith.cmpf oeq, %sub3A_410, %eq3A_412 : vector<128x1xf32>
    %select_n3A_414 = arith.select %eq3A_413, %select_n3A, %sub3A_410 : vector<128x1xi1>, vector<128x1xf32>
    %convert_element_type3A_415 = arith.fptosi %select_n3A_414 : vector<128x1xf32> to vector<128x1xi32>
    %add3A_416 = vector.broadcast %mul3A_66 : i32 to vector<128x1xi32>
    %add3A_417 = arith.addi %convert_element_type3A_415, %add3A_416 : vector<128x1xi32>
    %swap3A_418 = arith.constant 0 : index
    %swap3A_419 = arith.constant 0 : index
    %swap3A_420 = arith.constant 14 : index
    %swap3A_421 = vector.load %arg4[%swap3A_418, %swap3A_419, %swap3A_420] : memref<1x128x32xi32, #tpu.memory_space<vmem>>, vector<1x128x1xi32>
    %swap3A_422 = vector.shape_cast %swap3A_421 : vector<1x128x1xi32> to vector<128x1xi32>
    %swap3A_423 = vector.shape_cast %add3A_417 : vector<128x1xi32> to vector<1x128x1xi32>
    tpu.vector_store %arg4[%swap3A_418, %swap3A_419, %swap3A_420], %swap3A_423 {strides = array<i32>} : memref<1x128x32xi32, #tpu.memory_space<vmem>>, vector<1x128x1xi32>,
    %add3A_424 = arith.constant 5.000000e-01 : f32
    %add3A_425 = vector.broadcast %add3A_424 : f32 to vector<128x1xf32>
    %add3A_426 = arith.addf %sub3A_410, %add3A_425 : vector<128x1xf32>
    %sub3A_427 = vector.broadcast %add3A_426 : vector<128x1xf32> to vector<128x8192xf32>
    %sub3A_428 = arith.subf %sub3A_427, %add3A_64 : vector<128x8192xf32>
    %bitcast_convert_type3A_429 = tpu.bitcast %sub3A_428 : vector<128x8192xf32> -> vector<128x8192xi32>
    %reduce_min3A_430 = arith.constant dense<2147483647> : vector<128xi32>
    %reduce_min3A_431 = vector.multi_reduction <minsi>, %bitcast_convert_type3A_429, %reduce_min3A_430 [1] : vector<128x8192xi32> to vector<128xi32>
    %broadcast_in_dim3A_432 = vector.shape_cast %reduce_min3A_431 : vector<128xi32> to vector<128x1xi32>
    %bitcast_convert_type3A_433 = tpu.bitcast %broadcast_in_dim3A_432 : vector<128x1xi32> -> vector<128x1xf32>
    %sub3A_434 = arith.subf %add3A_426, %bitcast_convert_type3A_433 : vector<128x1xf32>
    %eq3A_435 = arith.constant 8.192000e+03 : f32
    %eq3A_436 = vector.broadcast %eq3A_435 : f32 to vector<128x1xf32>
    %eq3A_437 = arith.cmpf oeq, %sub3A_434, %eq3A_436 : vector<128x1xf32>
    %select_n3A_438 = arith.select %eq3A_437, %select_n3A, %sub3A_434 : vector<128x1xi1>, vector<128x1xf32>
    %convert_element_type3A_439 = arith.fptosi %select_n3A_438 : vector<128x1xf32> to vector<128x1xi32>
    %add3A_440 = vector.broadcast %mul3A_66 : i32 to vector<128x1xi32>
    %add3A_441 = arith.addi %convert_element_type3A_439, %add3A_440 : vector<128x1xi32>
    %swap3A_442 = arith.constant 0 : index
    %swap3A_443 = arith.constant 0 : index
    %swap3A_444 = arith.constant 15 : index
    %swap3A_445 = vector.load %arg4[%swap3A_442, %swap3A_443, %swap3A_444] : memref<1x128x32xi32, #tpu.memory_space<vmem>>, vector<1x128x1xi32>
    %swap3A_446 = vector.shape_cast %swap3A_445 : vector<1x128x1xi32> to vector<128x1xi32>
    %swap3A_447 = vector.shape_cast %add3A_441 : vector<128x1xi32> to vector<1x128x1xi32>
    tpu.vector_store %arg4[%swap3A_442, %swap3A_443, %swap3A_444], %swap3A_447 {strides = array<i32>} : memref<1x128x32xi32, #tpu.memory_space<vmem>>, vector<1x128x1xi32>,
    %add3A_448 = arith.constant 5.000000e-01 : f32
    %add3A_449 = vector.broadcast %add3A_448 : f32 to vector<128x1xf32>
    %add3A_450 = arith.addf %sub3A_434, %add3A_449 : vector<128x1xf32>
    %sub3A_451 = vector.broadcast %add3A_450 : vector<128x1xf32> to vector<128x8192xf32>
    %sub3A_452 = arith.subf %sub3A_451, %add3A_64 : vector<128x8192xf32>
    %bitcast_convert_type3A_453 = tpu.bitcast %sub3A_452 : vector<128x8192xf32> -> vector<128x8192xi32>
    %reduce_min3A_454 = arith.constant dense<2147483647> : vector<128xi32>
    %reduce_min3A_455 = vector.multi_reduction <minsi>, %bitcast_convert_type3A_453, %reduce_min3A_454 [1] : vector<128x8192xi32> to vector<128xi32>
    %broadcast_in_dim3A_456 = vector.shape_cast %reduce_min3A_455 : vector<128xi32> to vector<128x1xi32>
    %bitcast_convert_type3A_457 = tpu.bitcast %broadcast_in_dim3A_456 : vector<128x1xi32> -> vector<128x1xf32>
    %sub3A_458 = arith.subf %add3A_450, %bitcast_convert_type3A_457 : vector<128x1xf32>
    %eq3A_459 = arith.constant 8.192000e+03 : f32
    %eq3A_460 = vector.broadcast %eq3A_459 : f32 to vector<128x1xf32>
    %eq3A_461 = arith.cmpf oeq, %sub3A_458, %eq3A_460 : vector<128x1xf32>
    %select_n3A_462 = arith.select %eq3A_461, %select_n3A, %sub3A_458 : vector<128x1xi1>, vector<128x1xf32>
    %convert_element_type3A_463 = arith.fptosi %select_n3A_462 : vector<128x1xf32> to vector<128x1xi32>
    %add3A_464 = vector.broadcast %mul3A_66 : i32 to vector<128x1xi32>
    %add3A_465 = arith.addi %convert_element_type3A_463, %add3A_464 : vector<128x1xi32>
    %swap3A_466 = arith.constant 0 : index
    %swap3A_467 = arith.constant 0 : index
    %swap3A_468 = arith.constant 16 : index
    %swap3A_469 = vector.load %arg4[%swap3A_466, %swap3A_467, %swap3A_468] : memref<1x128x32xi32, #tpu.memory_space<vmem>>, vector<1x128x1xi32>
    %swap3A_470 = vector.shape_cast %swap3A_469 : vector<1x128x1xi32> to vector<128x1xi32>
    %swap3A_471 = vector.shape_cast %add3A_465 : vector<128x1xi32> to vector<1x128x1xi32>
    tpu.vector_store %arg4[%swap3A_466, %swap3A_467, %swap3A_468], %swap3A_471 {strides = array<i32>} : memref<1x128x32xi32, #tpu.memory_space<vmem>>, vector<1x128x1xi32>,
    %add3A_472 = arith.constant 5.000000e-01 : f32
    %add3A_473 = vector.broadcast %add3A_472 : f32 to vector<128x1xf32>
    %add3A_474 = arith.addf %sub3A_458, %add3A_473 : vector<128x1xf32>
    %sub3A_475 = vector.broadcast %add3A_474 : vector<128x1xf32> to vector<128x8192xf32>
    %sub3A_476 = arith.subf %sub3A_475, %add3A_64 : vector<128x8192xf32>
    %bitcast_convert_type3A_477 = tpu.bitcast %sub3A_476 : vector<128x8192xf32> -> vector<128x8192xi32>
    %reduce_min3A_478 = arith.constant dense<2147483647> : vector<128xi32>
    %reduce_min3A_479 = vector.multi_reduction <minsi>, %bitcast_convert_type3A_477, %reduce_min3A_478 [1] : vector<128x8192xi32> to vector<128xi32>
    %broadcast_in_dim3A_480 = vector.shape_cast %reduce_min3A_479 : vector<128xi32> to vector<128x1xi32>
    %bitcast_convert_type3A_481 = tpu.bitcast %broadcast_in_dim3A_480 : vector<128x1xi32> -> vector<128x1xf32>
    %sub3A_482 = arith.subf %add3A_474, %bitcast_convert_type3A_481 : vector<128x1xf32>
    %eq3A_483 = arith.constant 8.192000e+03 : f32
    %eq3A_484 = vector.broadcast %eq3A_483 : f32 to vector<128x1xf32>
    %eq3A_485 = arith.cmpf oeq, %sub3A_482, %eq3A_484 : vector<128x1xf32>
    %select_n3A_486 = arith.select %eq3A_485, %select_n3A, %sub3A_482 : vector<128x1xi1>, vector<128x1xf32>
    %convert_element_type3A_487 = arith.fptosi %select_n3A_486 : vector<128x1xf32> to vector<128x1xi32>
    %add3A_488 = vector.broadcast %mul3A_66 : i32 to vector<128x1xi32>
    %add3A_489 = arith.addi %convert_element_type3A_487, %add3A_488 : vector<128x1xi32>
    %swap3A_490 = arith.constant 0 : index
    %swap3A_491 = arith.constant 0 : index
    %swap3A_492 = arith.constant 17 : index
    %swap3A_493 = vector.load %arg4[%swap3A_490, %swap3A_491, %swap3A_492] : memref<1x128x32xi32, #tpu.memory_space<vmem>>, vector<1x128x1xi32>
    %swap3A_494 = vector.shape_cast %swap3A_493 : vector<1x128x1xi32> to vector<128x1xi32>
    %swap3A_495 = vector.shape_cast %add3A_489 : vector<128x1xi32> to vector<1x128x1xi32>
    tpu.vector_store %arg4[%swap3A_490, %swap3A_491, %swap3A_492], %swap3A_495 {strides = array<i32>} : memref<1x128x32xi32, #tpu.memory_space<vmem>>, vector<1x128x1xi32>,
    %add3A_496 = arith.constant 5.000000e-01 : f32
    %add3A_497 = vector.broadcast %add3A_496 : f32 to vector<128x1xf32>
    %add3A_498 = arith.addf %sub3A_482, %add3A_497 : vector<128x1xf32>
    %sub3A_499 = vector.broadcast %add3A_498 : vector<128x1xf32> to vector<128x8192xf32>
    %sub3A_500 = arith.subf %sub3A_499, %add3A_64 : vector<128x8192xf32>
    %bitcast_convert_type3A_501 = tpu.bitcast %sub3A_500 : vector<128x8192xf32> -> vector<128x8192xi32>
    %reduce_min3A_502 = arith.constant dense<2147483647> : vector<128xi32>
    %reduce_min3A_503 = vector.multi_reduction <minsi>, %bitcast_convert_type3A_501, %reduce_min3A_502 [1] : vector<128x8192xi32> to vector<128xi32>
    %broadcast_in_dim3A_504 = vector.shape_cast %reduce_min3A_503 : vector<128xi32> to vector<128x1xi32>
    %bitcast_convert_type3A_505 = tpu.bitcast %broadcast_in_dim3A_504 : vector<128x1xi32> -> vector<128x1xf32>
    %sub3A_506 = arith.subf %add3A_498, %bitcast_convert_type3A_505 : vector<128x1xf32>
    %eq3A_507 = arith.constant 8.192000e+03 : f32
    %eq3A_508 = vector.broadcast %eq3A_507 : f32 to vector<128x1xf32>
    %eq3A_509 = arith.cmpf oeq, %sub3A_506, %eq3A_508 : vector<128x1xf32>
    %select_n3A_510 = arith.select %eq3A_509, %select_n3A, %sub3A_506 : vector<128x1xi1>, vector<128x1xf32>
    %convert_element_type3A_511 = arith.fptosi %select_n3A_510 : vector<128x1xf32> to vector<128x1xi32>
    %add3A_512 = vector.broadcast %mul3A_66 : i32 to vector<128x1xi32>
    %add3A_513 = arith.addi %convert_element_type3A_511, %add3A_512 : vector<128x1xi32>
    %swap3A_514 = arith.constant 0 : index
    %swap3A_515 = arith.constant 0 : index
    %swap3A_516 = arith.constant 18 : index
    %swap3A_517 = vector.load %arg4[%swap3A_514, %swap3A_515, %swap3A_516] : memref<1x128x32xi32, #tpu.memory_space<vmem>>, vector<1x128x1xi32>
    %swap3A_518 = vector.shape_cast %swap3A_517 : vector<1x128x1xi32> to vector<128x1xi32>
    %swap3A_519 = vector.shape_cast %add3A_513 : vector<128x1xi32> to vector<1x128x1xi32>
    tpu.vector_store %arg4[%swap3A_514, %swap3A_515, %swap3A_516], %swap3A_519 {strides = array<i32>} : memref<1x128x32xi32, #tpu.memory_space<vmem>>, vector<1x128x1xi32>,
    %add3A_520 = arith.constant 5.000000e-01 : f32
    %add3A_521 = vector.broadcast %add3A_520 : f32 to vector<128x1xf32>
    %add3A_522 = arith.addf %sub3A_506, %add3A_521 : vector<128x1xf32>
    %sub3A_523 = vector.broadcast %add3A_522 : vector<128x1xf32> to vector<128x8192xf32>
    %sub3A_524 = arith.subf %sub3A_523, %add3A_64 : vector<128x8192xf32>
    %bitcast_convert_type3A_525 = tpu.bitcast %sub3A_524 : vector<128x8192xf32> -> vector<128x8192xi32>
    %reduce_min3A_526 = arith.constant dense<2147483647> : vector<128xi32>
    %reduce_min3A_527 = vector.multi_reduction <minsi>, %bitcast_convert_type3A_525, %reduce_min3A_526 [1] : vector<128x8192xi32> to vector<128xi32>
    %broadcast_in_dim3A_528 = vector.shape_cast %reduce_min3A_527 : vector<128xi32> to vector<128x1xi32>
    %bitcast_convert_type3A_529 = tpu.bitcast %broadcast_in_dim3A_528 : vector<128x1xi32> -> vector<128x1xf32>
    %sub3A_530 = arith.subf %add3A_522, %bitcast_convert_type3A_529 : vector<128x1xf32>
    %eq3A_531 = arith.constant 8.192000e+03 : f32
    %eq3A_532 = vector.broadcast %eq3A_531 : f32 to vector<128x1xf32>
    %eq3A_533 = arith.cmpf oeq, %sub3A_530, %eq3A_532 : vector<128x1xf32>
    %select_n3A_534 = arith.select %eq3A_533, %select_n3A, %sub3A_530 : vector<128x1xi1>, vector<128x1xf32>
    %convert_element_type3A_535 = arith.fptosi %select_n3A_534 : vector<128x1xf32> to vector<128x1xi32>
    %add3A_536 = vector.broadcast %mul3A_66 : i32 to vector<128x1xi32>
    %add3A_537 = arith.addi %convert_element_type3A_535, %add3A_536 : vector<128x1xi32>
    %swap3A_538 = arith.constant 0 : index
    %swap3A_539 = arith.constant 0 : index
    %swap3A_540 = arith.constant 19 : index
    %swap3A_541 = vector.load %arg4[%swap3A_538, %swap3A_539, %swap3A_540] : memref<1x128x32xi32, #tpu.memory_space<vmem>>, vector<1x128x1xi32>
    %swap3A_542 = vector.shape_cast %swap3A_541 : vector<1x128x1xi32> to vector<128x1xi32>
    %swap3A_543 = vector.shape_cast %add3A_537 : vector<128x1xi32> to vector<1x128x1xi32>
    tpu.vector_store %arg4[%swap3A_538, %swap3A_539, %swap3A_540], %swap3A_543 {strides = array<i32>} : memref<1x128x32xi32, #tpu.memory_space<vmem>>, vector<1x128x1xi32>,
    %add3A_544 = arith.constant 5.000000e-01 : f32
    %add3A_545 = vector.broadcast %add3A_544 : f32 to vector<128x1xf32>
    %add3A_546 = arith.addf %sub3A_530, %add3A_545 : vector<128x1xf32>
    %sub3A_547 = vector.broadcast %add3A_546 : vector<128x1xf32> to vector<128x8192xf32>
    %sub3A_548 = arith.subf %sub3A_547, %add3A_64 : vector<128x8192xf32>
    %bitcast_convert_type3A_549 = tpu.bitcast %sub3A_548 : vector<128x8192xf32> -> vector<128x8192xi32>
    %reduce_min3A_550 = arith.constant dense<2147483647> : vector<128xi32>
    %reduce_min3A_551 = vector.multi_reduction <minsi>, %bitcast_convert_type3A_549, %reduce_min3A_550 [1] : vector<128x8192xi32> to vector<128xi32>
    %broadcast_in_dim3A_552 = vector.shape_cast %reduce_min3A_551 : vector<128xi32> to vector<128x1xi32>
    %bitcast_convert_type3A_553 = tpu.bitcast %broadcast_in_dim3A_552 : vector<128x1xi32> -> vector<128x1xf32>
    %sub3A_554 = arith.subf %add3A_546, %bitcast_convert_type3A_553 : vector<128x1xf32>
    %eq3A_555 = arith.constant 8.192000e+03 : f32
    %eq3A_556 = vector.broadcast %eq3A_555 : f32 to vector<128x1xf32>
    %eq3A_557 = arith.cmpf oeq, %sub3A_554, %eq3A_556 : vector<128x1xf32>
    %select_n3A_558 = arith.select %eq3A_557, %select_n3A, %sub3A_554 : vector<128x1xi1>, vector<128x1xf32>
    %convert_element_type3A_559 = arith.fptosi %select_n3A_558 : vector<128x1xf32> to vector<128x1xi32>
    %add3A_560 = vector.broadcast %mul3A_66 : i32 to vector<128x1xi32>
    %add3A_561 = arith.addi %convert_element_type3A_559, %add3A_560 : vector<128x1xi32>
    %swap3A_562 = arith.constant 0 : index
    %swap3A_563 = arith.constant 0 : index
    %swap3A_564 = arith.constant 20 : index
    %swap3A_565 = vector.load %arg4[%swap3A_562, %swap3A_563, %swap3A_564] : memref<1x128x32xi32, #tpu.memory_space<vmem>>, vector<1x128x1xi32>
    %swap3A_566 = vector.shape_cast %swap3A_565 : vector<1x128x1xi32> to vector<128x1xi32>
    %swap3A_567 = vector.shape_cast %add3A_561 : vector<128x1xi32> to vector<1x128x1xi32>
    tpu.vector_store %arg4[%swap3A_562, %swap3A_563, %swap3A_564], %swap3A_567 {strides = array<i32>} : memref<1x128x32xi32, #tpu.memory_space<vmem>>, vector<1x128x1xi32>,
    %add3A_568 = arith.constant 5.000000e-01 : f32
    %add3A_569 = vector.broadcast %add3A_568 : f32 to vector<128x1xf32>
    %add3A_570 = arith.addf %sub3A_554, %add3A_569 : vector<128x1xf32>
    %sub3A_571 = vector.broadcast %add3A_570 : vector<128x1xf32> to vector<128x8192xf32>
    %sub3A_572 = arith.subf %sub3A_571, %add3A_64 : vector<128x8192xf32>
    %bitcast_convert_type3A_573 = tpu.bitcast %sub3A_572 : vector<128x8192xf32> -> vector<128x8192xi32>
    %reduce_min3A_574 = arith.constant dense<2147483647> : vector<128xi32>
    %reduce_min3A_575 = vector.multi_reduction <minsi>, %bitcast_convert_type3A_573, %reduce_min3A_574 [1] : vector<128x8192xi32> to vector<128xi32>
    %broadcast_in_dim3A_576 = vector.shape_cast %reduce_min3A_575 : vector<128xi32> to vector<128x1xi32>
    %bitcast_convert_type3A_577 = tpu.bitcast %broadcast_in_dim3A_576 : vector<128x1xi32> -> vector<128x1xf32>
    %sub3A_578 = arith.subf %add3A_570, %bitcast_convert_type3A_577 : vector<128x1xf32>
    %eq3A_579 = arith.constant 8.192000e+03 : f32
    %eq3A_580 = vector.broadcast %eq3A_579 : f32 to vector<128x1xf32>
    %eq3A_581 = arith.cmpf oeq, %sub3A_578, %eq3A_580 : vector<128x1xf32>
    %select_n3A_582 = arith.select %eq3A_581, %select_n3A, %sub3A_578 : vector<128x1xi1>, vector<128x1xf32>
    %convert_element_type3A_583 = arith.fptosi %select_n3A_582 : vector<128x1xf32> to vector<128x1xi32>
    %add3A_584 = vector.broadcast %mul3A_66 : i32 to vector<128x1xi32>
    %add3A_585 = arith.addi %convert_element_type3A_583, %add3A_584 : vector<128x1xi32>
    %swap3A_586 = arith.constant 0 : index
    %swap3A_587 = arith.constant 0 : index
    %swap3A_588 = arith.constant 21 : index
    %swap3A_589 = vector.load %arg4[%swap3A_586, %swap3A_587, %swap3A_588] : memref<1x128x32xi32, #tpu.memory_space<vmem>>, vector<1x128x1xi32>
    %swap3A_590 = vector.shape_cast %swap3A_589 : vector<1x128x1xi32> to vector<128x1xi32>
    %swap3A_591 = vector.shape_cast %add3A_585 : vector<128x1xi32> to vector<1x128x1xi32>
    tpu.vector_store %arg4[%swap3A_586, %swap3A_587, %swap3A_588], %swap3A_591 {strides = array<i32>} : memref<1x128x32xi32, #tpu.memory_space<vmem>>, vector<1x128x1xi32>,
    %add3A_592 = arith.constant 5.000000e-01 : f32
    %add3A_593 = vector.broadcast %add3A_592 : f32 to vector<128x1xf32>
    %add3A_594 = arith.addf %sub3A_578, %add3A_593 : vector<128x1xf32>
    %sub3A_595 = vector.broadcast %add3A_594 : vector<128x1xf32> to vector<128x8192xf32>
    %sub3A_596 = arith.subf %sub3A_595, %add3A_64 : vector<128x8192xf32>
    %bitcast_convert_type3A_597 = tpu.bitcast %sub3A_596 : vector<128x8192xf32> -> vector<128x8192xi32>
    %reduce_min3A_598 = arith.constant dense<2147483647> : vector<128xi32>
    %reduce_min3A_599 = vector.multi_reduction <minsi>, %bitcast_convert_type3A_597, %reduce_min3A_598 [1] : vector<128x8192xi32> to vector<128xi32>
    %broadcast_in_dim3A_600 = vector.shape_cast %reduce_min3A_599 : vector<128xi32> to vector<128x1xi32>
    %bitcast_convert_type3A_601 = tpu.bitcast %broadcast_in_dim3A_600 : vector<128x1xi32> -> vector<128x1xf32>
    %sub3A_602 = arith.subf %add3A_594, %bitcast_convert_type3A_601 : vector<128x1xf32>
    %eq3A_603 = arith.constant 8.192000e+03 : f32
    %eq3A_604 = vector.broadcast %eq3A_603 : f32 to vector<128x1xf32>
    %eq3A_605 = arith.cmpf oeq, %sub3A_602, %eq3A_604 : vector<128x1xf32>
    %select_n3A_606 = arith.select %eq3A_605, %select_n3A, %sub3A_602 : vector<128x1xi1>, vector<128x1xf32>
    %convert_element_type3A_607 = arith.fptosi %select_n3A_606 : vector<128x1xf32> to vector<128x1xi32>
    %add3A_608 = vector.broadcast %mul3A_66 : i32 to vector<128x1xi32>
    %add3A_609 = arith.addi %convert_element_type3A_607, %add3A_608 : vector<128x1xi32>
    %swap3A_610 = arith.constant 0 : index
    %swap3A_611 = arith.constant 0 : index
    %swap3A_612 = arith.constant 22 : index
    %swap3A_613 = vector.load %arg4[%swap3A_610, %swap3A_611, %swap3A_612] : memref<1x128x32xi32, #tpu.memory_space<vmem>>, vector<1x128x1xi32>
    %swap3A_614 = vector.shape_cast %swap3A_613 : vector<1x128x1xi32> to vector<128x1xi32>
    %swap3A_615 = vector.shape_cast %add3A_609 : vector<128x1xi32> to vector<1x128x1xi32>
    tpu.vector_store %arg4[%swap3A_610, %swap3A_611, %swap3A_612], %swap3A_615 {strides = array<i32>} : memref<1x128x32xi32, #tpu.memory_space<vmem>>, vector<1x128x1xi32>,
    %add3A_616 = arith.constant 5.000000e-01 : f32
    %add3A_617 = vector.broadcast %add3A_616 : f32 to vector<128x1xf32>
    %add3A_618 = arith.addf %sub3A_602, %add3A_617 : vector<128x1xf32>
    %sub3A_619 = vector.broadcast %add3A_618 : vector<128x1xf32> to vector<128x8192xf32>
    %sub3A_620 = arith.subf %sub3A_619, %add3A_64 : vector<128x8192xf32>
    %bitcast_convert_type3A_621 = tpu.bitcast %sub3A_620 : vector<128x8192xf32> -> vector<128x8192xi32>
    %reduce_min3A_622 = arith.constant dense<2147483647> : vector<128xi32>
    %reduce_min3A_623 = vector.multi_reduction <minsi>, %bitcast_convert_type3A_621, %reduce_min3A_622 [1] : vector<128x8192xi32> to vector<128xi32>
    %broadcast_in_dim3A_624 = vector.shape_cast %reduce_min3A_623 : vector<128xi32> to vector<128x1xi32>
    %bitcast_convert_type3A_625 = tpu.bitcast %broadcast_in_dim3A_624 : vector<128x1xi32> -> vector<128x1xf32>
    %sub3A_626 = arith.subf %add3A_618, %bitcast_convert_type3A_625 : vector<128x1xf32>
    %eq3A_627 = arith.constant 8.192000e+03 : f32
    %eq3A_628 = vector.broadcast %eq3A_627 : f32 to vector<128x1xf32>
    %eq3A_629 = arith.cmpf oeq, %sub3A_626, %eq3A_628 : vector<128x1xf32>
    %select_n3A_630 = arith.select %eq3A_629, %select_n3A, %sub3A_626 : vector<128x1xi1>, vector<128x1xf32>
    %convert_element_type3A_631 = arith.fptosi %select_n3A_630 : vector<128x1xf32> to vector<128x1xi32>
    %add3A_632 = vector.broadcast %mul3A_66 : i32 to vector<128x1xi32>
    %add3A_633 = arith.addi %convert_element_type3A_631, %add3A_632 : vector<128x1xi32>
    %swap3A_634 = arith.constant 0 : index
    %swap3A_635 = arith.constant 0 : index
    %swap3A_636 = arith.constant 23 : index
    %swap3A_637 = vector.load %arg4[%swap3A_634, %swap3A_635, %swap3A_636] : memref<1x128x32xi32, #tpu.memory_space<vmem>>, vector<1x128x1xi32>
    %swap3A_638 = vector.shape_cast %swap3A_637 : vector<1x128x1xi32> to vector<128x1xi32>
    %swap3A_639 = vector.shape_cast %add3A_633 : vector<128x1xi32> to vector<1x128x1xi32>
    tpu.vector_store %arg4[%swap3A_634, %swap3A_635, %swap3A_636], %swap3A_639 {strides = array<i32>} : memref<1x128x32xi32, #tpu.memory_space<vmem>>, vector<1x128x1xi32>,
    %add3A_640 = arith.constant 5.000000e-01 : f32
    %add3A_641 = vector.broadcast %add3A_640 : f32 to vector<128x1xf32>
    %add3A_642 = arith.addf %sub3A_626, %add3A_641 : vector<128x1xf32>
    %sub3A_643 = vector.broadcast %add3A_642 : vector<128x1xf32> to vector<128x8192xf32>
    %sub3A_644 = arith.subf %sub3A_643, %add3A_64 : vector<128x8192xf32>
    %bitcast_convert_type3A_645 = tpu.bitcast %sub3A_644 : vector<128x8192xf32> -> vector<128x8192xi32>
    %reduce_min3A_646 = arith.constant dense<2147483647> : vector<128xi32>
    %reduce_min3A_647 = vector.multi_reduction <minsi>, %bitcast_convert_type3A_645, %reduce_min3A_646 [1] : vector<128x8192xi32> to vector<128xi32>
    %broadcast_in_dim3A_648 = vector.shape_cast %reduce_min3A_647 : vector<128xi32> to vector<128x1xi32>
    %bitcast_convert_type3A_649 = tpu.bitcast %broadcast_in_dim3A_648 : vector<128x1xi32> -> vector<128x1xf32>
    %sub3A_650 = arith.subf %add3A_642, %bitcast_convert_type3A_649 : vector<128x1xf32>
    %eq3A_651 = arith.constant 8.192000e+03 : f32
    %eq3A_652 = vector.broadcast %eq3A_651 : f32 to vector<128x1xf32>
    %eq3A_653 = arith.cmpf oeq, %sub3A_650, %eq3A_652 : vector<128x1xf32>
    %select_n3A_654 = arith.select %eq3A_653, %select_n3A, %sub3A_650 : vector<128x1xi1>, vector<128x1xf32>
    %convert_element_type3A_655 = arith.fptosi %select_n3A_654 : vector<128x1xf32> to vector<128x1xi32>
    %add3A_656 = vector.broadcast %mul3A_66 : i32 to vector<128x1xi32>
    %add3A_657 = arith.addi %convert_element_type3A_655, %add3A_656 : vector<128x1xi32>
    %swap3A_658 = arith.constant 0 : index
    %swap3A_659 = arith.constant 0 : index
    %swap3A_660 = arith.constant 24 : index
    %swap3A_661 = vector.load %arg4[%swap3A_658, %swap3A_659, %swap3A_660] : memref<1x128x32xi32, #tpu.memory_space<vmem>>, vector<1x128x1xi32>
    %swap3A_662 = vector.shape_cast %swap3A_661 : vector<1x128x1xi32> to vector<128x1xi32>
    %swap3A_663 = vector.shape_cast %add3A_657 : vector<128x1xi32> to vector<1x128x1xi32>
    tpu.vector_store %arg4[%swap3A_658, %swap3A_659, %swap3A_660], %swap3A_663 {strides = array<i32>} : memref<1x128x32xi32, #tpu.memory_space<vmem>>, vector<1x128x1xi32>,
    %add3A_664 = arith.constant 5.000000e-01 : f32
    %add3A_665 = vector.broadcast %add3A_664 : f32 to vector<128x1xf32>
    %add3A_666 = arith.addf %sub3A_650, %add3A_665 : vector<128x1xf32>
    %sub3A_667 = vector.broadcast %add3A_666 : vector<128x1xf32> to vector<128x8192xf32>
    %sub3A_668 = arith.subf %sub3A_667, %add3A_64 : vector<128x8192xf32>
    %bitcast_convert_type3A_669 = tpu.bitcast %sub3A_668 : vector<128x8192xf32> -> vector<128x8192xi32>
    %reduce_min3A_670 = arith.constant dense<2147483647> : vector<128xi32>
    %reduce_min3A_671 = vector.multi_reduction <minsi>, %bitcast_convert_type3A_669, %reduce_min3A_670 [1] : vector<128x8192xi32> to vector<128xi32>
    %broadcast_in_dim3A_672 = vector.shape_cast %reduce_min3A_671 : vector<128xi32> to vector<128x1xi32>
    %bitcast_convert_type3A_673 = tpu.bitcast %broadcast_in_dim3A_672 : vector<128x1xi32> -> vector<128x1xf32>
    %sub3A_674 = arith.subf %add3A_666, %bitcast_convert_type3A_673 : vector<128x1xf32>
    %eq3A_675 = arith.constant 8.192000e+03 : f32
    %eq3A_676 = vector.broadcast %eq3A_675 : f32 to vector<128x1xf32>
    %eq3A_677 = arith.cmpf oeq, %sub3A_674, %eq3A_676 : vector<128x1xf32>
    %select_n3A_678 = arith.select %eq3A_677, %select_n3A, %sub3A_674 : vector<128x1xi1>, vector<128x1xf32>
    %convert_element_type3A_679 = arith.fptosi %select_n3A_678 : vector<128x1xf32> to vector<128x1xi32>
    %add3A_680 = vector.broadcast %mul3A_66 : i32 to vector<128x1xi32>
    %add3A_681 = arith.addi %convert_element_type3A_679, %add3A_680 : vector<128x1xi32>
    %swap3A_682 = arith.constant 0 : index
    %swap3A_683 = arith.constant 0 : index
    %swap3A_684 = arith.constant 25 : index
    %swap3A_685 = vector.load %arg4[%swap3A_682, %swap3A_683, %swap3A_684] : memref<1x128x32xi32, #tpu.memory_space<vmem>>, vector<1x128x1xi32>
    %swap3A_686 = vector.shape_cast %swap3A_685 : vector<1x128x1xi32> to vector<128x1xi32>
    %swap3A_687 = vector.shape_cast %add3A_681 : vector<128x1xi32> to vector<1x128x1xi32>
    tpu.vector_store %arg4[%swap3A_682, %swap3A_683, %swap3A_684], %swap3A_687 {strides = array<i32>} : memref<1x128x32xi32, #tpu.memory_space<vmem>>, vector<1x128x1xi32>,
    %add3A_688 = arith.constant 5.000000e-01 : f32
    %add3A_689 = vector.broadcast %add3A_688 : f32 to vector<128x1xf32>
    %add3A_690 = arith.addf %sub3A_674, %add3A_689 : vector<128x1xf32>
    %sub3A_691 = vector.broadcast %add3A_690 : vector<128x1xf32> to vector<128x8192xf32>
    %sub3A_692 = arith.subf %sub3A_691, %add3A_64 : vector<128x8192xf32>
    %bitcast_convert_type3A_693 = tpu.bitcast %sub3A_692 : vector<128x8192xf32> -> vector<128x8192xi32>
    %reduce_min3A_694 = arith.constant dense<2147483647> : vector<128xi32>
    %reduce_min3A_695 = vector.multi_reduction <minsi>, %bitcast_convert_type3A_693, %reduce_min3A_694 [1] : vector<128x8192xi32> to vector<128xi32>
    %broadcast_in_dim3A_696 = vector.shape_cast %reduce_min3A_695 : vector<128xi32> to vector<128x1xi32>
    %bitcast_convert_type3A_697 = tpu.bitcast %broadcast_in_dim3A_696 : vector<128x1xi32> -> vector<128x1xf32>
    %sub3A_698 = arith.subf %add3A_690, %bitcast_convert_type3A_697 : vector<128x1xf32>
    %eq3A_699 = arith.constant 8.192000e+03 : f32
    %eq3A_700 = vector.broadcast %eq3A_699 : f32 to vector<128x1xf32>
    %eq3A_701 = arith.cmpf oeq, %sub3A_698, %eq3A_700 : vector<128x1xf32>
    %select_n3A_702 = arith.select %eq3A_701, %select_n3A, %sub3A_698 : vector<128x1xi1>, vector<128x1xf32>
    %convert_element_type3A_703 = arith.fptosi %select_n3A_702 : vector<128x1xf32> to vector<128x1xi32>
    %add3A_704 = vector.broadcast %mul3A_66 : i32 to vector<128x1xi32>
    %add3A_705 = arith.addi %convert_element_type3A_703, %add3A_704 : vector<128x1xi32>
    %swap3A_706 = arith.constant 0 : index
    %swap3A_707 = arith.constant 0 : index
    %swap3A_708 = arith.constant 26 : index
    %swap3A_709 = vector.load %arg4[%swap3A_706, %swap3A_707, %swap3A_708] : memref<1x128x32xi32, #tpu.memory_space<vmem>>, vector<1x128x1xi32>
    %swap3A_710 = vector.shape_cast %swap3A_709 : vector<1x128x1xi32> to vector<128x1xi32>
    %swap3A_711 = vector.shape_cast %add3A_705 : vector<128x1xi32> to vector<1x128x1xi32>
    tpu.vector_store %arg4[%swap3A_706, %swap3A_707, %swap3A_708], %swap3A_711 {strides = array<i32>} : memref<1x128x32xi32, #tpu.memory_space<vmem>>, vector<1x128x1xi32>,
    %add3A_712 = arith.constant 5.000000e-01 : f32
    %add3A_713 = vector.broadcast %add3A_712 : f32 to vector<128x1xf32>
    %add3A_714 = arith.addf %sub3A_698, %add3A_713 : vector<128x1xf32>
    %sub3A_715 = vector.broadcast %add3A_714 : vector<128x1xf32> to vector<128x8192xf32>
    %sub3A_716 = arith.subf %sub3A_715, %add3A_64 : vector<128x8192xf32>
    %bitcast_convert_type3A_717 = tpu.bitcast %sub3A_716 : vector<128x8192xf32> -> vector<128x8192xi32>
    %reduce_min3A_718 = arith.constant dense<2147483647> : vector<128xi32>
    %reduce_min3A_719 = vector.multi_reduction <minsi>, %bitcast_convert_type3A_717, %reduce_min3A_718 [1] : vector<128x8192xi32> to vector<128xi32>
    %broadcast_in_dim3A_720 = vector.shape_cast %reduce_min3A_719 : vector<128xi32> to vector<128x1xi32>
    %bitcast_convert_type3A_721 = tpu.bitcast %broadcast_in_dim3A_720 : vector<128x1xi32> -> vector<128x1xf32>
    %sub3A_722 = arith.subf %add3A_714, %bitcast_convert_type3A_721 : vector<128x1xf32>
    %eq3A_723 = arith.constant 8.192000e+03 : f32
    %eq3A_724 = vector.broadcast %eq3A_723 : f32 to vector<128x1xf32>
    %eq3A_725 = arith.cmpf oeq, %sub3A_722, %eq3A_724 : vector<128x1xf32>
    %select_n3A_726 = arith.select %eq3A_725, %select_n3A, %sub3A_722 : vector<128x1xi1>, vector<128x1xf32>
    %convert_element_type3A_727 = arith.fptosi %select_n3A_726 : vector<128x1xf32> to vector<128x1xi32>
    %add3A_728 = vector.broadcast %mul3A_66 : i32 to vector<128x1xi32>
    %add3A_729 = arith.addi %convert_element_type3A_727, %add3A_728 : vector<128x1xi32>
    %swap3A_730 = arith.constant 0 : index
    %swap3A_731 = arith.constant 0 : index
    %swap3A_732 = arith.constant 27 : index
    %swap3A_733 = vector.load %arg4[%swap3A_730, %swap3A_731, %swap3A_732] : memref<1x128x32xi32, #tpu.memory_space<vmem>>, vector<1x128x1xi32>
    %swap3A_734 = vector.shape_cast %swap3A_733 : vector<1x128x1xi32> to vector<128x1xi32>
    %swap3A_735 = vector.shape_cast %add3A_729 : vector<128x1xi32> to vector<1x128x1xi32>
    tpu.vector_store %arg4[%swap3A_730, %swap3A_731, %swap3A_732], %swap3A_735 {strides = array<i32>} : memref<1x128x32xi32, #tpu.memory_space<vmem>>, vector<1x128x1xi32>,
    %add3A_736 = arith.constant 5.000000e-01 : f32
    %add3A_737 = vector.broadcast %add3A_736 : f32 to vector<128x1xf32>
    %add3A_738 = arith.addf %sub3A_722, %add3A_737 : vector<128x1xf32>
    %sub3A_739 = vector.broadcast %add3A_738 : vector<128x1xf32> to vector<128x8192xf32>
    %sub3A_740 = arith.subf %sub3A_739, %add3A_64 : vector<128x8192xf32>
    %bitcast_convert_type3A_741 = tpu.bitcast %sub3A_740 : vector<128x8192xf32> -> vector<128x8192xi32>
    %reduce_min3A_742 = arith.constant dense<2147483647> : vector<128xi32>
    %reduce_min3A_743 = vector.multi_reduction <minsi>, %bitcast_convert_type3A_741, %reduce_min3A_742 [1] : vector<128x8192xi32> to vector<128xi32>
    %broadcast_in_dim3A_744 = vector.shape_cast %reduce_min3A_743 : vector<128xi32> to vector<128x1xi32>
    %bitcast_convert_type3A_745 = tpu.bitcast %broadcast_in_dim3A_744 : vector<128x1xi32> -> vector<128x1xf32>
    %sub3A_746 = arith.subf %add3A_738, %bitcast_convert_type3A_745 : vector<128x1xf32>
    %eq3A_747 = arith.constant 8.192000e+03 : f32
    %eq3A_748 = vector.broadcast %eq3A_747 : f32 to vector<128x1xf32>
    %eq3A_749 = arith.cmpf oeq, %sub3A_746, %eq3A_748 : vector<128x1xf32>
    %select_n3A_750 = arith.select %eq3A_749, %select_n3A, %sub3A_746 : vector<128x1xi1>, vector<128x1xf32>
    %convert_element_type3A_751 = arith.fptosi %select_n3A_750 : vector<128x1xf32> to vector<128x1xi32>
    %add3A_752 = vector.broadcast %mul3A_66 : i32 to vector<128x1xi32>
    %add3A_753 = arith.addi %convert_element_type3A_751, %add3A_752 : vector<128x1xi32>
    %swap3A_754 = arith.constant 0 : index
    %swap3A_755 = arith.constant 0 : index
    %swap3A_756 = arith.constant 28 : index
    %swap3A_757 = vector.load %arg4[%swap3A_754, %swap3A_755, %swap3A_756] : memref<1x128x32xi32, #tpu.memory_space<vmem>>, vector<1x128x1xi32>
    %swap3A_758 = vector.shape_cast %swap3A_757 : vector<1x128x1xi32> to vector<128x1xi32>
    %swap3A_759 = vector.shape_cast %add3A_753 : vector<128x1xi32> to vector<1x128x1xi32>
    tpu.vector_store %arg4[%swap3A_754, %swap3A_755, %swap3A_756], %swap3A_759 {strides = array<i32>} : memref<1x128x32xi32, #tpu.memory_space<vmem>>, vector<1x128x1xi32>,
    %add3A_760 = arith.constant 5.000000e-01 : f32
    %add3A_761 = vector.broadcast %add3A_760 : f32 to vector<128x1xf32>
    %add3A_762 = arith.addf %sub3A_746, %add3A_761 : vector<128x1xf32>
    %sub3A_763 = vector.broadcast %add3A_762 : vector<128x1xf32> to vector<128x8192xf32>
    %sub3A_764 = arith.subf %sub3A_763, %add3A_64 : vector<128x8192xf32>
    %bitcast_convert_type3A_765 = tpu.bitcast %sub3A_764 : vector<128x8192xf32> -> vector<128x8192xi32>
    %reduce_min3A_766 = arith.constant dense<2147483647> : vector<128xi32>
    %reduce_min3A_767 = vector.multi_reduction <minsi>, %bitcast_convert_type3A_765, %reduce_min3A_766 [1] : vector<128x8192xi32> to vector<128xi32>
    %broadcast_in_dim3A_768 = vector.shape_cast %reduce_min3A_767 : vector<128xi32> to vector<128x1xi32>
    %bitcast_convert_type3A_769 = tpu.bitcast %broadcast_in_dim3A_768 : vector<128x1xi32> -> vector<128x1xf32>
    %sub3A_770 = arith.subf %add3A_762, %bitcast_convert_type3A_769 : vector<128x1xf32>
    %eq3A_771 = arith.constant 8.192000e+03 : f32
    %eq3A_772 = vector.broadcast %eq3A_771 : f32 to vector<128x1xf32>
    %eq3A_773 = arith.cmpf oeq, %sub3A_770, %eq3A_772 : vector<128x1xf32>
    %select_n3A_774 = arith.select %eq3A_773, %select_n3A, %sub3A_770 : vector<128x1xi1>, vector<128x1xf32>
    %convert_element_type3A_775 = arith.fptosi %select_n3A_774 : vector<128x1xf32> to vector<128x1xi32>
    %add3A_776 = vector.broadcast %mul3A_66 : i32 to vector<128x1xi32>
    %add3A_777 = arith.addi %convert_element_type3A_775, %add3A_776 : vector<128x1xi32>
    %swap3A_778 = arith.constant 0 : index
    %swap3A_779 = arith.constant 0 : index
    %swap3A_780 = arith.constant 29 : index
    %swap3A_781 = vector.load %arg4[%swap3A_778, %swap3A_779, %swap3A_780] : memref<1x128x32xi32, #tpu.memory_space<vmem>>, vector<1x128x1xi32>
    %swap3A_782 = vector.shape_cast %swap3A_781 : vector<1x128x1xi32> to vector<128x1xi32>
    %swap3A_783 = vector.shape_cast %add3A_777 : vector<128x1xi32> to vector<1x128x1xi32>
    tpu.vector_store %arg4[%swap3A_778, %swap3A_779, %swap3A_780], %swap3A_783 {strides = array<i32>} : memref<1x128x32xi32, #tpu.memory_space<vmem>>, vector<1x128x1xi32>,
    %add3A_784 = arith.constant 5.000000e-01 : f32
    %add3A_785 = vector.broadcast %add3A_784 : f32 to vector<128x1xf32>
    %add3A_786 = arith.addf %sub3A_770, %add3A_785 : vector<128x1xf32>
    %sub3A_787 = vector.broadcast %add3A_786 : vector<128x1xf32> to vector<128x8192xf32>
    %sub3A_788 = arith.subf %sub3A_787, %add3A_64 : vector<128x8192xf32>
    %bitcast_convert_type3A_789 = tpu.bitcast %sub3A_788 : vector<128x8192xf32> -> vector<128x8192xi32>
    %reduce_min3A_790 = arith.constant dense<2147483647> : vector<128xi32>
    %reduce_min3A_791 = vector.multi_reduction <minsi>, %bitcast_convert_type3A_789, %reduce_min3A_790 [1] : vector<128x8192xi32> to vector<128xi32>
    %broadcast_in_dim3A_792 = vector.shape_cast %reduce_min3A_791 : vector<128xi32> to vector<128x1xi32>
    %bitcast_convert_type3A_793 = tpu.bitcast %broadcast_in_dim3A_792 : vector<128x1xi32> -> vector<128x1xf32>
    %sub3A_794 = arith.subf %add3A_786, %bitcast_convert_type3A_793 : vector<128x1xf32>
    %eq3A_795 = arith.constant 8.192000e+03 : f32
    %eq3A_796 = vector.broadcast %eq3A_795 : f32 to vector<128x1xf32>
    %eq3A_797 = arith.cmpf oeq, %sub3A_794, %eq3A_796 : vector<128x1xf32>
    %select_n3A_798 = arith.select %eq3A_797, %select_n3A, %sub3A_794 : vector<128x1xi1>, vector<128x1xf32>
    %convert_element_type3A_799 = arith.fptosi %select_n3A_798 : vector<128x1xf32> to vector<128x1xi32>
    %add3A_800 = vector.broadcast %mul3A_66 : i32 to vector<128x1xi32>
    %add3A_801 = arith.addi %convert_element_type3A_799, %add3A_800 : vector<128x1xi32>
    %swap3A_802 = arith.constant 0 : index
    %swap3A_803 = arith.constant 0 : index
    %swap3A_804 = arith.constant 30 : index
    %swap3A_805 = vector.load %arg4[%swap3A_802, %swap3A_803, %swap3A_804] : memref<1x128x32xi32, #tpu.memory_space<vmem>>, vector<1x128x1xi32>
    %swap3A_806 = vector.shape_cast %swap3A_805 : vector<1x128x1xi32> to vector<128x1xi32>
    %swap3A_807 = vector.shape_cast %add3A_801 : vector<128x1xi32> to vector<1x128x1xi32>
    tpu.vector_store %arg4[%swap3A_802, %swap3A_803, %swap3A_804], %swap3A_807 {strides = array<i32>} : memref<1x128x32xi32, #tpu.memory_space<vmem>>, vector<1x128x1xi32>,
    %add3A_808 = arith.constant 5.000000e-01 : f32
    %add3A_809 = vector.broadcast %add3A_808 : f32 to vector<128x1xf32>
    %add3A_810 = arith.addf %sub3A_794, %add3A_809 : vector<128x1xf32>
    %sub3A_811 = vector.broadcast %add3A_810 : vector<128x1xf32> to vector<128x8192xf32>
    %sub3A_812 = arith.subf %sub3A_811, %add3A_64 : vector<128x8192xf32>
    %bitcast_convert_type3A_813 = tpu.bitcast %sub3A_812 : vector<128x8192xf32> -> vector<128x8192xi32>
    %reduce_min3A_814 = arith.constant dense<2147483647> : vector<128xi32>
    %reduce_min3A_815 = vector.multi_reduction <minsi>, %bitcast_convert_type3A_813, %reduce_min3A_814 [1] : vector<128x8192xi32> to vector<128xi32>
    %broadcast_in_dim3A_816 = vector.shape_cast %reduce_min3A_815 : vector<128xi32> to vector<128x1xi32>
    %bitcast_convert_type3A_817 = tpu.bitcast %broadcast_in_dim3A_816 : vector<128x1xi32> -> vector<128x1xf32>
    %sub3A_818 = arith.subf %add3A_810, %bitcast_convert_type3A_817 : vector<128x1xf32>
    %eq3A_819 = arith.constant 8.192000e+03 : f32
    %eq3A_820 = vector.broadcast %eq3A_819 : f32 to vector<128x1xf32>
    %eq3A_821 = arith.cmpf oeq, %sub3A_818, %eq3A_820 : vector<128x1xf32>
    %select_n3A_822 = arith.select %eq3A_821, %select_n3A, %sub3A_818 : vector<128x1xi1>, vector<128x1xf32>
    %convert_element_type3A_823 = arith.fptosi %select_n3A_822 : vector<128x1xf32> to vector<128x1xi32>
    %add3A_824 = vector.broadcast %mul3A_66 : i32 to vector<128x1xi32>
    %add3A_825 = arith.addi %convert_element_type3A_823, %add3A_824 : vector<128x1xi32>
    %swap3A_826 = arith.constant 0 : index
    %swap3A_827 = arith.constant 0 : index
    %swap3A_828 = arith.constant 31 : index
    %swap3A_829 = vector.load %arg4[%swap3A_826, %swap3A_827, %swap3A_828] : memref<1x128x32xi32, #tpu.memory_space<vmem>>, vector<1x128x1xi32>
    %swap3A_830 = vector.shape_cast %swap3A_829 : vector<1x128x1xi32> to vector<128x1xi32>
    %swap3A_831 = vector.shape_cast %add3A_825 : vector<128x1xi32> to vector<1x128x1xi32>
    tpu.vector_store %arg4[%swap3A_826, %swap3A_827, %swap3A_828], %swap3A_831 {strides = array<i32>} : memref<1x128x32xi32, #tpu.memory_space<vmem>>, vector<1x128x1xi32>,
    return
  }
  func.func @transform_0(%arg0: i32, %arg1: i32) -> (i32, i32, i32) {
    %c0_i32 = arith.constant 0 : i32
    %c0_i32_0 = arith.constant 0 : i32
    %c0_i32_1 = arith.constant 0 : i32
    return %arg0, %c0_i32, %c0_i32_0 : i32, i32, i32
  }
  func.func @transform_1(%arg0: i32, %arg1: i32) -> (i32, i32, i32) {
    %c0_i32 = arith.constant 0 : i32
    %c0_i32_0 = arith.constant 0 : i32
    return %arg0, %arg1, %c0_i32 : i32, i32, i32
  }
  func.func @transform_2(%arg0: i32, %arg1: i32) -> (i32, i32, i32) {
    %c0_i32 = arith.constant 0 : i32
    %c0_i32_0 = arith.constant 0 : i32
    return %arg0, %arg1, %c0_i32 : i32, i32, i32
  }
}

module attributes {stable_mosaic.version = 14 : i64} {
  func.func @_d1_body(%arg0: i32, %arg1: memref<8192x32xf32, #tpu.memory_space<vmem>>, %arg2: memref<8192x32xf32, #tpu.memory_space<vmem>>, %arg3: memref<32x32xf32, #tpu.memory_space<vmem>>, %arg4: memref<8192x32xf32, #tpu.memory_space<vmem>>, %arg5: memref<1x32xf32, #tpu.memory_space<vmem>>, %arg6: memref<1x32xf32, #tpu.memory_space<vmem>>) attributes {dimension_semantics = [#tpu.dimension_semantics<arbitrary>], iteration_bounds = array<i64: 8>, scalar_prefetch = 0 : i64, scratch_operands = 0 : i64, tpu.core_type = #tpu.core_type<tc>, window_params = [{transform_indices = @transform_0, window_bounds = array<i64: 8192, 32>}, {transform_indices = @transform_1, window_bounds = array<i64: 8192, 32>}, {pipeline_mode = #tpu.pipeline_mode<synchronous>, transform_indices = @transform_2, window_bounds = array<i64: 32, 32>}, {transform_indices = @transform_3, window_bounds = array<i64: 8192, 32>}, {pipeline_mode = #tpu.pipeline_mode<synchronous>, transform_indices = @transform_4, window_bounds = array<i64: 1, 32>}, {pipeline_mode = #tpu.pipeline_mode<synchronous>, transform_indices = @transform_5, window_bounds = array<i64: 1, 32>}]} {
    %get3A = arith.constant 0 : index
    %get3A_0 = arith.constant 0 : index
    %get3A_1 = vector.load %arg1[%get3A, %get3A_0] : memref<8192x32xf32, #tpu.memory_space<vmem>>, vector<8192x32xf32>
    %get3A_2 = arith.constant 0 : index
    %get3A_3 = arith.constant 0 : index
    %get3A_4 = vector.load %arg2[%get3A_2, %get3A_3] : memref<8192x32xf32, #tpu.memory_space<vmem>>, vector<8192x32xf32>
    %sub3A = arith.subf %get3A_1, %get3A_4 : vector<8192x32xf32>
    %get3A_5 = arith.constant 0 : index
    %get3A_6 = arith.constant 0 : index
    %get3A_7 = vector.load %arg3[%get3A_5, %get3A_6] : memref<32x32xf32, #tpu.memory_space<vmem>>, vector<32x32xf32>
    %dot_general3A = arith.constant dense<0.000000e+00> : vector<8192x32xf32>
    %dot_general3A_8 = tpu.matmul %sub3A, %get3A_7, %dot_general3A {dimension_numbers = #tpu.dot_dimension_numbers<[1], [0], [0], [1], [0, 0, 1, 1], [], []>, transpose_lhs_hint = false} : vector<8192x32xf32>, vector<32x32xf32>, vector<8192x32xf32> -> vector<8192x32xf32>
    %swap3A = arith.constant 0 : index
    %swap3A_9 = arith.constant 0 : index
    %swap3A_10 = vector.load %arg4[%swap3A, %swap3A_9] : memref<8192x32xf32, #tpu.memory_space<vmem>>, vector<8192x32xf32>
    tpu.vector_store %arg4[%swap3A, %swap3A_9], %dot_general3A_8 {strides = array<i32>} : memref<8192x32xf32, #tpu.memory_space<vmem>>, vector<8192x32xf32>,
    %eq3A = arith.constant 0 : i32
    %eq3A_11 = arith.cmpi eq, %arg0, %eq3A : i32
    %convert_element_type3A = arith.extui %eq3A_11 : i1 to i32
    %cond3A = arith.constant 0 : i32
    %cond3A_12 = arith.cmpi ne, %convert_element_type3A, %cond3A : i32
    scf.if %cond3A_12 {
      %broadcast_in_dim3A_30 = arith.constant 0.000000e+00 : f32
      %broadcast_in_dim3A_31 = vector.broadcast %broadcast_in_dim3A_30 : f32 to vector<1x32xf32>
      %swap3A_32 = arith.constant 0 : index
      %swap3A_33 = arith.constant 0 : index
      %swap3A_34 = vector.load %arg5[%swap3A_32, %swap3A_33] : memref<1x32xf32, #tpu.memory_space<vmem>>, vector<1x32xf32>
      tpu.vector_store %arg5[%swap3A_32, %swap3A_33], %broadcast_in_dim3A_31 {strides = array<i32>} : memref<1x32xf32, #tpu.memory_space<vmem>>, vector<1x32xf32>,
      %broadcast_in_dim3A_35 = arith.constant 0.000000e+00 : f32
      %broadcast_in_dim3A_36 = vector.broadcast %broadcast_in_dim3A_35 : f32 to vector<1x32xf32>
      %swap3A_37 = arith.constant 0 : index
      %swap3A_38 = arith.constant 0 : index
      %swap3A_39 = vector.load %arg6[%swap3A_37, %swap3A_38] : memref<1x32xf32, #tpu.memory_space<vmem>>, vector<1x32xf32>
      tpu.vector_store %arg6[%swap3A_37, %swap3A_38], %broadcast_in_dim3A_36 {strides = array<i32>} : memref<1x32xf32, #tpu.memory_space<vmem>>, vector<1x32xf32>,
    } else {
    }
    %get3A_13 = arith.constant 0 : index
    %get3A_14 = arith.constant 0 : index
    %get3A_15 = vector.load %arg5[%get3A_13, %get3A_14] : memref<1x32xf32, #tpu.memory_space<vmem>>, vector<1x32xf32>
    %reduce_sum3A = arith.constant dense<0.000000e+00> : vector<32xf32>
    %reduce_sum3A_16 = vector.multi_reduction <add>, %dot_general3A_8, %reduce_sum3A [0] : vector<8192x32xf32> to vector<32xf32>
    %broadcast_in_dim3A = vector.shape_cast %reduce_sum3A_16 : vector<32xf32> to vector<1x32xf32>
    %add3A = arith.addf %get3A_15, %broadcast_in_dim3A : vector<1x32xf32>
    %swap3A_17 = arith.constant 0 : index
    %swap3A_18 = arith.constant 0 : index
    %swap3A_19 = vector.load %arg5[%swap3A_17, %swap3A_18] : memref<1x32xf32, #tpu.memory_space<vmem>>, vector<1x32xf32>
    tpu.vector_store %arg5[%swap3A_17, %swap3A_18], %add3A {strides = array<i32>} : memref<1x32xf32, #tpu.memory_space<vmem>>, vector<1x32xf32>,
    %get3A_20 = arith.constant 0 : index
    %get3A_21 = arith.constant 0 : index
    %get3A_22 = vector.load %arg6[%get3A_20, %get3A_21] : memref<1x32xf32, #tpu.memory_space<vmem>>, vector<1x32xf32>
    %mul3A = arith.mulf %dot_general3A_8, %dot_general3A_8 : vector<8192x32xf32>
    %reduce_sum3A_23 = arith.constant dense<0.000000e+00> : vector<32xf32>
    %reduce_sum3A_24 = vector.multi_reduction <add>, %mul3A, %reduce_sum3A_23 [0] : vector<8192x32xf32> to vector<32xf32>
    %broadcast_in_dim3A_25 = vector.shape_cast %reduce_sum3A_24 : vector<32xf32> to vector<1x32xf32>
    %add3A_26 = arith.addf %get3A_22, %broadcast_in_dim3A_25 : vector<1x32xf32>
    %swap3A_27 = arith.constant 0 : index
    %swap3A_28 = arith.constant 0 : index
    %swap3A_29 = vector.load %arg6[%swap3A_27, %swap3A_28] : memref<1x32xf32, #tpu.memory_space<vmem>>, vector<1x32xf32>
    tpu.vector_store %arg6[%swap3A_27, %swap3A_28], %add3A_26 {strides = array<i32>} : memref<1x32xf32, #tpu.memory_space<vmem>>, vector<1x32xf32>,
    return
  }
  func.func @transform_0(%arg0: i32) -> (i32, i32) {
    %c0_i32 = arith.constant 0 : i32
    %c0_i32_0 = arith.constant 0 : i32
    return %arg0, %c0_i32 : i32, i32
  }
  func.func @transform_1(%arg0: i32) -> (i32, i32) {
    %c0_i32 = arith.constant 0 : i32
    %c0_i32_0 = arith.constant 0 : i32
    return %arg0, %c0_i32 : i32, i32
  }
  func.func @transform_2(%arg0: i32) -> (i32, i32) {
    %c0_i32 = arith.constant 0 : i32
    %c0_i32_0 = arith.constant 0 : i32
    %c0_i32_1 = arith.constant 0 : i32
    return %c0_i32, %c0_i32_0 : i32, i32
  }
  func.func @transform_3(%arg0: i32) -> (i32, i32) {
    %c0_i32 = arith.constant 0 : i32
    %c0_i32_0 = arith.constant 0 : i32
    return %arg0, %c0_i32 : i32, i32
  }
  func.func @transform_4(%arg0: i32) -> (i32, i32) {
    %c0_i32 = arith.constant 0 : i32
    %c0_i32_0 = arith.constant 0 : i32
    %c0_i32_1 = arith.constant 0 : i32
    return %c0_i32, %c0_i32_0 : i32, i32
  }
  func.func @transform_5(%arg0: i32) -> (i32, i32) {
    %c0_i32 = arith.constant 0 : i32
    %c0_i32_0 = arith.constant 0 : i32
    %c0_i32_1 = arith.constant 0 : i32
    return %c0_i32, %c0_i32_0 : i32, i32
  }
}

module attributes {stable_mosaic.version = 14 : i64} {
  func.func @_d2_body(%arg0: i32, %arg1: memref<8192x32xf32, #tpu.memory_space<vmem>>, %arg2: memref<1x32xf32, #tpu.memory_space<vmem>>, %arg3: memref<1x32xf32, #tpu.memory_space<vmem>>, %arg4: memref<32x64xf32, #tpu.memory_space<vmem>>, %arg5: memref<8192x64xf32, #tpu.memory_space<vmem>>, %arg6: memref<1x64xf32, #tpu.memory_space<vmem>>, %arg7: memref<1x64xf32, #tpu.memory_space<vmem>>) attributes {dimension_semantics = [#tpu.dimension_semantics<arbitrary>], iteration_bounds = array<i64: 8>, scalar_prefetch = 0 : i64, scratch_operands = 0 : i64, tpu.core_type = #tpu.core_type<tc>, window_params = [{transform_indices = @transform_0, window_bounds = array<i64: 8192, 32>}, {pipeline_mode = #tpu.pipeline_mode<synchronous>, transform_indices = @transform_1, window_bounds = array<i64: 1, 32>}, {pipeline_mode = #tpu.pipeline_mode<synchronous>, transform_indices = @transform_2, window_bounds = array<i64: 1, 32>}, {pipeline_mode = #tpu.pipeline_mode<synchronous>, transform_indices = @transform_3, window_bounds = array<i64: 32, 64>}, {transform_indices = @transform_4, window_bounds = array<i64: 8192, 64>}, {pipeline_mode = #tpu.pipeline_mode<synchronous>, transform_indices = @transform_5, window_bounds = array<i64: 1, 64>}, {pipeline_mode = #tpu.pipeline_mode<synchronous>, transform_indices = @transform_6, window_bounds = array<i64: 1, 64>}]} {
    %get3A = arith.constant 0 : index
    %get3A_0 = arith.constant 0 : index
    %get3A_1 = vector.load %arg1[%get3A, %get3A_0] : memref<8192x32xf32, #tpu.memory_space<vmem>>, vector<8192x32xf32>
    %get3A_2 = arith.constant 0 : index
    %get3A_3 = arith.constant 0 : index
    %get3A_4 = vector.load %arg2[%get3A_2, %get3A_3] : memref<1x32xf32, #tpu.memory_space<vmem>>, vector<1x32xf32>
    %mul3A = vector.broadcast %get3A_4 : vector<1x32xf32> to vector<8192x32xf32>
    %mul3A_5 = arith.mulf %get3A_1, %mul3A : vector<8192x32xf32>
    %get3A_6 = arith.constant 0 : index
    %get3A_7 = arith.constant 0 : index
    %get3A_8 = vector.load %arg3[%get3A_6, %get3A_7] : memref<1x32xf32, #tpu.memory_space<vmem>>, vector<1x32xf32>
    %add3A = vector.broadcast %get3A_8 : vector<1x32xf32> to vector<8192x32xf32>
    %add3A_9 = arith.addf %mul3A_5, %add3A : vector<8192x32xf32>
    %max3A = arith.constant 0.000000e+00 : f32
    %max3A_10 = vector.broadcast %max3A : f32 to vector<8192x32xf32>
    %max3A_11 = arith.maximumf %add3A_9, %max3A_10 : vector<8192x32xf32>
    %get3A_12 = arith.constant 0 : index
    %get3A_13 = arith.constant 0 : index
    %get3A_14 = vector.load %arg4[%get3A_12, %get3A_13] : memref<32x64xf32, #tpu.memory_space<vmem>>, vector<32x64xf32>
    %dot_general3A = arith.constant dense<0.000000e+00> : vector<8192x64xf32>
    %dot_general3A_15 = tpu.matmul %max3A_11, %get3A_14, %dot_general3A {dimension_numbers = #tpu.dot_dimension_numbers<[1], [0], [0], [1], [0, 0, 1, 1], [], []>, transpose_lhs_hint = false} : vector<8192x32xf32>, vector<32x64xf32>, vector<8192x64xf32> -> vector<8192x64xf32>
    %swap3A = arith.constant 0 : index
    %swap3A_16 = arith.constant 0 : index
    %swap3A_17 = vector.load %arg5[%swap3A, %swap3A_16] : memref<8192x64xf32, #tpu.memory_space<vmem>>, vector<8192x64xf32>
    tpu.vector_store %arg5[%swap3A, %swap3A_16], %dot_general3A_15 {strides = array<i32>} : memref<8192x64xf32, #tpu.memory_space<vmem>>, vector<8192x64xf32>,
    %eq3A = arith.constant 0 : i32
    %eq3A_18 = arith.cmpi eq, %arg0, %eq3A : i32
    %convert_element_type3A = arith.extui %eq3A_18 : i1 to i32
    %cond3A = arith.constant 0 : i32
    %cond3A_19 = arith.cmpi ne, %convert_element_type3A, %cond3A : i32
    scf.if %cond3A_19 {
      %broadcast_in_dim3A_39 = arith.constant 0.000000e+00 : f32
      %broadcast_in_dim3A_40 = vector.broadcast %broadcast_in_dim3A_39 : f32 to vector<1x64xf32>
      %swap3A_41 = arith.constant 0 : index
      %swap3A_42 = arith.constant 0 : index
      %swap3A_43 = vector.load %arg6[%swap3A_41, %swap3A_42] : memref<1x64xf32, #tpu.memory_space<vmem>>, vector<1x64xf32>
      tpu.vector_store %arg6[%swap3A_41, %swap3A_42], %broadcast_in_dim3A_40 {strides = array<i32>} : memref<1x64xf32, #tpu.memory_space<vmem>>, vector<1x64xf32>,
      %broadcast_in_dim3A_44 = arith.constant 0.000000e+00 : f32
      %broadcast_in_dim3A_45 = vector.broadcast %broadcast_in_dim3A_44 : f32 to vector<1x64xf32>
      %swap3A_46 = arith.constant 0 : index
      %swap3A_47 = arith.constant 0 : index
      %swap3A_48 = vector.load %arg7[%swap3A_46, %swap3A_47] : memref<1x64xf32, #tpu.memory_space<vmem>>, vector<1x64xf32>
      tpu.vector_store %arg7[%swap3A_46, %swap3A_47], %broadcast_in_dim3A_45 {strides = array<i32>} : memref<1x64xf32, #tpu.memory_space<vmem>>, vector<1x64xf32>,
    } else {
    }
    %get3A_20 = arith.constant 0 : index
    %get3A_21 = arith.constant 0 : index
    %get3A_22 = vector.load %arg6[%get3A_20, %get3A_21] : memref<1x64xf32, #tpu.memory_space<vmem>>, vector<1x64xf32>
    %reduce_sum3A = arith.constant dense<0.000000e+00> : vector<64xf32>
    %reduce_sum3A_23 = vector.multi_reduction <add>, %dot_general3A_15, %reduce_sum3A [0] : vector<8192x64xf32> to vector<64xf32>
    %broadcast_in_dim3A = vector.shape_cast %reduce_sum3A_23 : vector<64xf32> to vector<1x64xf32>
    %add3A_24 = arith.addf %get3A_22, %broadcast_in_dim3A : vector<1x64xf32>
    %swap3A_25 = arith.constant 0 : index
    %swap3A_26 = arith.constant 0 : index
    %swap3A_27 = vector.load %arg6[%swap3A_25, %swap3A_26] : memref<1x64xf32, #tpu.memory_space<vmem>>, vector<1x64xf32>
    tpu.vector_store %arg6[%swap3A_25, %swap3A_26], %add3A_24 {strides = array<i32>} : memref<1x64xf32, #tpu.memory_space<vmem>>, vector<1x64xf32>,
    %get3A_28 = arith.constant 0 : index
    %get3A_29 = arith.constant 0 : index
    %get3A_30 = vector.load %arg7[%get3A_28, %get3A_29] : memref<1x64xf32, #tpu.memory_space<vmem>>, vector<1x64xf32>
    %mul3A_31 = arith.mulf %dot_general3A_15, %dot_general3A_15 : vector<8192x64xf32>
    %reduce_sum3A_32 = arith.constant dense<0.000000e+00> : vector<64xf32>
    %reduce_sum3A_33 = vector.multi_reduction <add>, %mul3A_31, %reduce_sum3A_32 [0] : vector<8192x64xf32> to vector<64xf32>
    %broadcast_in_dim3A_34 = vector.shape_cast %reduce_sum3A_33 : vector<64xf32> to vector<1x64xf32>
    %add3A_35 = arith.addf %get3A_30, %broadcast_in_dim3A_34 : vector<1x64xf32>
    %swap3A_36 = arith.constant 0 : index
    %swap3A_37 = arith.constant 0 : index
    %swap3A_38 = vector.load %arg7[%swap3A_36, %swap3A_37] : memref<1x64xf32, #tpu.memory_space<vmem>>, vector<1x64xf32>
    tpu.vector_store %arg7[%swap3A_36, %swap3A_37], %add3A_35 {strides = array<i32>} : memref<1x64xf32, #tpu.memory_space<vmem>>, vector<1x64xf32>,
    return
  }
  func.func @transform_0(%arg0: i32) -> (i32, i32) {
    %c0_i32 = arith.constant 0 : i32
    %c0_i32_0 = arith.constant 0 : i32
    return %arg0, %c0_i32 : i32, i32
  }
  func.func @transform_1(%arg0: i32) -> (i32, i32) {
    %c0_i32 = arith.constant 0 : i32
    %c0_i32_0 = arith.constant 0 : i32
    %c0_i32_1 = arith.constant 0 : i32
    return %c0_i32, %c0_i32_0 : i32, i32
  }
  func.func @transform_2(%arg0: i32) -> (i32, i32) {
    %c0_i32 = arith.constant 0 : i32
    %c0_i32_0 = arith.constant 0 : i32
    %c0_i32_1 = arith.constant 0 : i32
    return %c0_i32, %c0_i32_0 : i32, i32
  }
  func.func @transform_3(%arg0: i32) -> (i32, i32) {
    %c0_i32 = arith.constant 0 : i32
    %c0_i32_0 = arith.constant 0 : i32
    %c0_i32_1 = arith.constant 0 : i32
    return %c0_i32, %c0_i32_0 : i32, i32
  }
  func.func @transform_4(%arg0: i32) -> (i32, i32) {
    %c0_i32 = arith.constant 0 : i32
    %c0_i32_0 = arith.constant 0 : i32
    return %arg0, %c0_i32 : i32, i32
  }
  func.func @transform_5(%arg0: i32) -> (i32, i32) {
    %c0_i32 = arith.constant 0 : i32
    %c0_i32_0 = arith.constant 0 : i32
    %c0_i32_1 = arith.constant 0 : i32
    return %c0_i32, %c0_i32_0 : i32, i32
  }
  func.func @transform_6(%arg0: i32) -> (i32, i32) {
    %c0_i32 = arith.constant 0 : i32
    %c0_i32_0 = arith.constant 0 : i32
    %c0_i32_1 = arith.constant 0 : i32
    return %c0_i32, %c0_i32_0 : i32, i32
  }
}

module attributes {stable_mosaic.version = 14 : i64} {
  func.func @_d3_body(%arg0: i32, %arg1: memref<256x32x64xf32, #tpu.memory_space<vmem>>, %arg2: memref<1x1x64xf32, #tpu.memory_space<vmem>>, %arg3: memref<1x1x64xf32, #tpu.memory_space<vmem>>, %arg4: memref<256x64xf32, #tpu.memory_space<vmem>>) attributes {dimension_semantics = [#tpu.dimension_semantics<arbitrary>], iteration_bounds = array<i64: 8>, scalar_prefetch = 0 : i64, scratch_operands = 0 : i64, tpu.core_type = #tpu.core_type<tc>, window_params = [{transform_indices = @transform_0, window_bounds = array<i64: 256, 32, 64>}, {pipeline_mode = #tpu.pipeline_mode<synchronous>, transform_indices = @transform_1, window_bounds = array<i64: 1, 1, 64>}, {pipeline_mode = #tpu.pipeline_mode<synchronous>, transform_indices = @transform_2, window_bounds = array<i64: 1, 1, 64>}, {transform_indices = @transform_3, window_bounds = array<i64: 256, 64>}]} {
    %get3A = arith.constant 0 : index
    %get3A_0 = arith.constant 0 : index
    %get3A_1 = arith.constant 0 : index
    %get3A_2 = vector.load %arg1[%get3A, %get3A_0, %get3A_1] : memref<256x32x64xf32, #tpu.memory_space<vmem>>, vector<256x32x64xf32>
    %get3A_3 = arith.constant 0 : index
    %get3A_4 = arith.constant 0 : index
    %get3A_5 = arith.constant 0 : index
    %get3A_6 = vector.load %arg2[%get3A_3, %get3A_4, %get3A_5] : memref<1x1x64xf32, #tpu.memory_space<vmem>>, vector<1x1x64xf32>
    %mul3A = vector.broadcast %get3A_6 : vector<1x1x64xf32> to vector<256x32x64xf32>
    %mul3A_7 = arith.mulf %get3A_2, %mul3A : vector<256x32x64xf32>
    %get3A_8 = arith.constant 0 : index
    %get3A_9 = arith.constant 0 : index
    %get3A_10 = arith.constant 0 : index
    %get3A_11 = vector.load %arg3[%get3A_8, %get3A_9, %get3A_10] : memref<1x1x64xf32, #tpu.memory_space<vmem>>, vector<1x1x64xf32>
    %add3A = vector.broadcast %get3A_11 : vector<1x1x64xf32> to vector<256x32x64xf32>
    %add3A_12 = arith.addf %mul3A_7, %add3A : vector<256x32x64xf32>
    %max3A = arith.constant 0.000000e+00 : f32
    %max3A_13 = vector.broadcast %max3A : f32 to vector<256x32x64xf32>
    %max3A_14 = arith.maximumf %add3A_12, %max3A_13 : vector<256x32x64xf32>
    %reduce_max3A = arith.constant dense<0xFF800000> : vector<256x64xf32>
    %reduce_max3A_15 = vector.multi_reduction <maximumf>, %max3A_14, %reduce_max3A [1] : vector<256x32x64xf32> to vector<256x64xf32>
    %swap3A = arith.constant 0 : index
    %swap3A_16 = arith.constant 0 : index
    %swap3A_17 = vector.load %arg4[%swap3A, %swap3A_16] : memref<256x64xf32, #tpu.memory_space<vmem>>, vector<256x64xf32>
    tpu.vector_store %arg4[%swap3A, %swap3A_16], %reduce_max3A_15 {strides = array<i32>} : memref<256x64xf32, #tpu.memory_space<vmem>>, vector<256x64xf32>,
    return
  }
  func.func @transform_0(%arg0: i32) -> (i32, i32, i32) {
    %c0_i32 = arith.constant 0 : i32
    %c0_i32_0 = arith.constant 0 : i32
    %c0_i32_1 = arith.constant 0 : i32
    return %arg0, %c0_i32, %c0_i32_0 : i32, i32, i32
  }
  func.func @transform_1(%arg0: i32) -> (i32, i32, i32) {
    %c0_i32 = arith.constant 0 : i32
    %c0_i32_0 = arith.constant 0 : i32
    %c0_i32_1 = arith.constant 0 : i32
    %c0_i32_2 = arith.constant 0 : i32
    return %c0_i32, %c0_i32_0, %c0_i32_1 : i32, i32, i32
  }
  func.func @transform_2(%arg0: i32) -> (i32, i32, i32) {
    %c0_i32 = arith.constant 0 : i32
    %c0_i32_0 = arith.constant 0 : i32
    %c0_i32_1 = arith.constant 0 : i32
    %c0_i32_2 = arith.constant 0 : i32
    return %c0_i32, %c0_i32_0, %c0_i32_1 : i32, i32, i32
  }
  func.func @transform_3(%arg0: i32) -> (i32, i32) {
    %c0_i32 = arith.constant 0 : i32
    %c0_i32_0 = arith.constant 0 : i32
    return %arg0, %c0_i32 : i32, i32
  }
}

</mosaic_0001>

<sc_bundles>
// kernel: kernel.8.cloned.1.call-start
scs
__scs_entry_jumppad:
0x0: {  	(pc) =	sbr.rel $0x88, $3  }
0x1: {  	(tag) =	ssettag $0x0;
	lr =	simm.s32 $0x1  }
0x2: {  	[smem:$0x3F99] =	sst lr;
	_ =	strace $0xD0000000  }
0x3: {  	_ = 	snop  }
0x4: {  	_ = 	snop  }
0x5: {  	_ = 	snop  }
0x6: {  	_ = 	snop  }
0x7: {  	_ = 	snop  }
__scs_overlays_trampoline_lowered:
0x8: {  	[smem:$0x3FA8] =	sst s0  }
0x9: {  	[smem:$0x3FA9] =	sst s1  }
0xa: {  	[smem:$0x3FAA] =	sst s2  }
0xb: {  	[smem:$0x3FAB] =	sst s3  }
0xc: {  	[smem:$0x3FAC] =	sst s4  }
0xd: {  	[smem:$0x3FAD] =	sst s5  }
0xe: {  	[smem:$0x3FAE] =	sst s6  }
0xf: {  	[smem:$0x3FAF] =	sst s7  }
0x10: {  	[smem:$0x3FB0] =	sst s8  }
0x11: {  	[smem:$0x3FB1] =	sst s9;
	s0 =	simm.s32 @!p0 $0x0  }
0x12: {  	s1 =	sld [smem:$0x3F97];
	s0 =	simm.s32 @p0 $0x1  }
0x13: {  	[smem:$0x3FB2] =	sst s0;
	s0 =	simm.s32 @!p1 $0x0  }
0x14: {  	s2 =	sld [smem:$0x3F96];
	s0 =	simm.s32 @p1 $0x1  }
0x15: {  	[smem:$0x3FB3] =	sst s0;
	s0 =	simm.s32 @!p2 $0x0  }
0x16: {  	s3 =	sld [smem:$0x3FDB];
	s0 =	simm.s32 @p2 $0x1  }
0x17: {  	s4 =	simm.s32 $0x1BF5;
	[smem:$0x3FB5] =	sst s0  }
0x18: {  	s0 =	sld [smem:$0x3F98];
	_ =	swait.ge [sflag:s4], $0x0  }
0x19: {  	s7 =	sld [smem:$0x3F99]  }
0x1a: {  	s8 =	sadd.s32 $0xFFFFE003, lr  }
0x1b: {  	s9 =	sadd.s32 $0xFFFFFEF7, lr;
	s5 =	simm.s32 $0xFFFFFFFF;
	p2 =	slt.u32 s8, $0xFFFFF086  }
0x1c: {  	p1 =	slt.u32 s9, $0xF7A;
	s5 =	simm.s32 @!p2 $0x0  }
0x1d: {  	s5 =	simm.s32 @p1 $0x1;
	p0 =	seq.s32 s7, s2  }
0x1e: {  	s7 =	smul.u32 @!p0 $0xF7A, s2;
	p2 =	seq.s32 @!p0 s5, $0x0  }
0x1f: {  	s9 =	smul.u32 $0xF7A, s1;
	s8 =	simm.s32 @!p0 $0x1BF5;
	p2 =	por !p2, p0  }
0x20: {  	[sflag:s8] =	ssyncset.s32 @!p0 $0xFFFFF086;
	s6 =	sadd.s32 @!p0 s3, s7;
	s7 =	simm.s32 @!p0 $0x108  }
0x21: {  	s3 =	sadd.s32 s3, s9;
	s6 =	sadd.s32 @!p0 $0x88, s6;
	s7 =	simm.s32 @p2 $0x1082  }
0x22: {  	[simem:s7], [sflag:s8] =	dma.local @!p0 [hbm:s6], $0xF7A  }
0x23: {  	s9 =	sor.u32 $0xD0000000, s2;
	s6 =	simm.s32 $0x108;
	_ =	swait.ge @!p0 [sflag:s8], $0x0  }
0x24: {  	s3 =	sadd.s32 $0x88, s3;
	s6 =	simm.s32 @!p1 $0x1082;
	[sflag:s4] =	ssyncset.s32 $0xFFFFF086  }
0x25: {  	[simem:s6], [sflag:s4] =	dma.local [hbm:s3], $0xF7A  }
0x26: {  	[smem:$0x3F99] =	sst s1;
	(tag) =	ssettag s2;
	_ =	strace s9  }
0x27: {  	s1 =	sld [smem:$0x3FA9]  }
0x28: {  	s2 =	sld [smem:$0x3FAA]  }
0x29: {  	s4 =	sld [smem:$0x3FAC]  }
0x2a: {  	p0 =	seq.s32 s5, $0x0;
	s5 =	sld [smem:$0x3FAD]  }
0x2b: {  	s6 =	sld [smem:$0x3FAE]  }
0x2c: {  	s7 =	sld [smem:$0x3FAF]  }
0x2d: {  	s3 =	simm.s32 $0x108;
	s8 =	sld [smem:$0x3FB0]  }
0x2e: {  	s3 =	simm.s32 @!p0 $0x1082;
	s9 =	sld [smem:$0x3FB1]  }
0x2f: {  	lr =	sadd.s32 s0, s3;
	s0 =	sld [smem:$0x3FA8]  }
0x30: {  	s3 =	sld [smem:$0x3FAB]  }
0x31: {  	[smem:$0x3FB4] =	sst s10  }
0x32: {  	s10 =	sld [smem:$0x3FB2];
	_ =	sdelay $0x3  }
0x33: {  	p0 =	seq.s32 s10, $0x1;
	s10 =	sld [smem:$0x3FB4];
	_ =	sdelay $0x3  }
0x34: {  	[smem:$0x3FB4] =	sst s10  }
0x35: {  	s10 =	sld [smem:$0x3FB3];
	_ =	sdelay $0x3  }
0x36: {  	p1 =	seq.s32 s10, $0x1;
	s10 =	sld [smem:$0x3FB4];
	_ =	sdelay $0x3  }
0x37: {  	[smem:$0x3FB4] =	sst s10  }
0x38: {  	s10 =	sld [smem:$0x3FB5]  }
0x39: {  	_ = 	snop;
	(pc) =	sbr.ind lr, $3  }
0x3a: {  	_ = 	snop  }
0x3b: {  	_ = 	snop  }
0x3c: {  	p2 =	seq.s32 s10, $0x1;
	s10 =	sld [smem:$0x3FB4]  }
0x3d: {  	_ =	shalt  }
0x3e: {  	_ =	shalt  }
0x3f: {  	_ =	shalt  }
0x40: {  	_ =	shalt  }
0x41: {  	_ =	shalt  }
0x42: {  	_ =	shalt  }
0x43: {  	_ =	shalt  }
0x44: {  	_ =	shalt  }
0x45: {  	_ =	shalt  }
0x46: {  	_ =	shalt  }
0x47: {  	_ =	shalt  }
0x48: {  	_ =	shalt  }
0x49: {  	_ =	shalt  }
0x4a: {  	_ =	shalt  }
0x4b: {  	_ =	shalt  }
0x4c: {  	_ =	shalt  }
0x4d: {  	_ =	shalt  }
0x4e: {  	_ =	shalt  }
0x4f: {  	_ =	shalt  }
0x50: {  	_ =	shalt  }
0x51: {  	_ =	shalt  }
0x52: {  	_ =	shalt  }
0x53: {  	_ =	shalt  }
0x54: {  	_ =	shalt  }
0x55: {  	_ =	shalt  }
0x56: {  	_ =	shalt  }
0x57: {  	_ =	shalt  }
0x58: {  	_ =	shalt  }
0x59: {  	_ =	shalt  }
0x5a: {  	_ =	shalt  }
0x5b: {  	_ =	shalt  }
0x5c: {  	_ =	shalt  }
0x5d: {  	_ =	shalt  }
0x5e: {  	_ =	shalt  }
0x5f: {  	_ =	shalt  }
0x60: {  	_ =	shalt  }
0x61: {  	_ =	shalt  }
0x62: {  	_ =	shalt  }
0x63: {  	_ =	shalt  }
0x64: {  	_ =	shalt  }
0x65: {  	_ =	shalt  }
0x66: {  	_ =	shalt  }
0x67: {  	_ =	shalt  }
0x68: {  	_ =	shalt  }
0x69: {  	_ =	shalt  }
0x6a: {  	_ =	shalt  }
0x6b: {  	_ =	shalt  }
0x6c: {  	_ =	shalt  }
0x6d: {  	_ =	shalt  }
0x6e: {  	_ =	shalt  }
0x6f: {  	_ =	shalt  }
0x70: {  	_ =	shalt  }
0x71: {  	_ =	shalt  }
0x72: {  	_ =	shalt  }
0x73: {  	_ =	shalt  }
0x74: {  	_ =	shalt  }
0x75: {  	_ =	shalt  }
0x76: {  	_ =	shalt  }
0x77: {  	_ =	shalt  }
0x78: {  	_ =	shalt  }
0x79: {  	_ =	shalt  }
0x7a: {  	_ =	shalt  }
0x7b: {  	_ =	shalt  }
0x7c: {  	_ =	shalt  }
0x7d: {  	_ =	shalt  }
0x7e: {  	_ =	shalt  }
0x7f: {  	_ =	shalt  }
0x80: {  	_ =	shalt  }
0x81: {  	_ =	shalt  }
0x82: {  	_ =	shalt  }
0x83: {  	_ =	shalt  }
0x84: {  	_ =	shalt  }
0x85: {  	_ =	shalt  }
0x86: {  	_ =	shalt  }
0x87: {  	_ =	shalt  }
.Lfunc_end0:
.L_simem_size_0:
called_computation_lowered:
.L_overlay_start_0:
0x88: {  	s2 =	sld [smem:$0x3FD9]  }
0x89: {  	s3 =	sld [smem:$0x3FFE];
	_ =	sdelay $0x1  }
0x8a: {  	s1 =	srdreg.scid  }
0x8b: {  	s0 =	sand.u32 $0x1, s1  }
0x8c: {  	s14 =	sshll.u32 s0, $0xA;
	s2 =	sadd.s32 s3, s2  }
0x8d: {  	s2 =	sadd.s32 s2, s14  }
0x8e: {  	[smem:$0x3FC0] =	sst s2  }
0x8f: {  	_ = 	snop  }
0x90: {  	s2 =	sld [smem:$0x3FD0];
	_ =	sdelay $0x2  }
0x91: {  	s15 =	simm.s32 $0xA;
	s4 =	simm.s32 $0x10  }
0x92: {  	[smem:s4], [sflag:s15] =	dma.local [hbm:s2], $0x1  }
0x93: {  	_ =	swait.eq [sflag:s15], $0x1  }
0x94: {  	[sflag:s15] =	ssyncset.done $0x0  }
0x95: {  	[sflag:s15] =	ssyncadd.s32 $0xFFFFFFFF  }
0x96: {  	s16 =	sld [smem:$0x11];
	(tm) =	ssettm $0x1  }
0x97: {  	s17 =	sld [smem:$0x3FFB];
	_ =	sdelay $0x3  }
0x98: {  	_ =	strace s17  }
0x99: {  	s3 =	sld [smem:$0x3FFC];
	_ =	sdelay $0x3  }
0x9a: {  	_ =	strace s3  }
0x9b: {  	s3 =	sld [smem:$0x3FFD];
	_ =	sdelay $0x3  }
0x9c: {  	_ =	strace s3  }
0x9d: {  	_ =	strace $0x8FFFFFFF  }
0x9e: {  	s18 =	sld [smem:$0x3FDB];
	_ =	sdelay $0x1  }
0x9f: {  	s19 =	simm.s32 $_scs_section_size  }
0xa0: {  	s5 =	simm.s32 $_size__tile_overlayer_lowered;
	s6 =	simm.s32 $_tile_overlayer_lowered  }
0xa1: {  	s22 =	simm.s32 $0x1BFF;
	s21 =	sshll.u32 s6, $0x1;
	s3 =	sadd.s32 s19, s18  }
0xa2: {  	s7 =	simm.s32 $0x0;
	s20 =	sshll.u32 s5, $0x1;
	s5 =	sadd.s32 s21, s3  }
0xa3: {  	[timem:s7], [sflag:s22] =	dma.local [hbm:s5], s20  }
0xa4: {  	_ =	swait.ge [sflag:s22], s20  }
0xa5: {  	s4 =	ssub.s32 $0x0, s20;
	[sflag:s22] =	ssyncset.done $0x0  }
0xa6: {  	[sflag:s22] =	ssyncadd.s32 s4;
	_ =	sdelay $0x1  }
0xa7: {  	s23 =	simm.s32 $0x1B8B  }
0xa8: {  	_ =	swait.ge [sflag:s23], $0x1  }
0xa9: {  	[sflag:s23] =	ssyncset.done $0x0  }
0xaa: {  	s25 =	simm.s32 $0x1B8E;
	s24 =	sld [smem:$0x3FFE];
	[sflag:s23] =	ssyncadd.s32 $0xFFFFFFFF  }
0xab: {  	s26 =	simm.s32 $execute0_lowered;
	[smem:$0x3FD2] =	sst s25  }
0xac: {  	s5 =	sshll.u32 s26, $0x1;
	_ =	strace $0x80000046;
	[dreg:$0x1] =	wrdreg $0xFFFFFFFF  }
0xad: {  	s28 =	simm.s32 $_size_execute0_lowered;
	s3 =	sadd.s32 s3, s5;
	[dreg:$0x0] =	wrdreg $0x0  }
0xae: {  	s5 =	sshll.u32 s28, $0x1;
	[dreg:$0x2] =	wrdreg s3  }
0xaf: {  	[dreg:$0x3] =	wrdreg s5  }
0xb0: {  	[dreg:$0x4] =	wrdreg $0xC0  }
0xb1: {  	_ =	task [dreg:s7], $0x5FFFF  }
0xb2: {  	[dreg:$0x1] =	wrdreg $0xFFFFFFFF  }
0xb3: {  	[dreg:$0x0] =	wrdreg $0x60  }
0xb4: {  	[dreg:$0x2] =	wrdreg s24  }
0xb5: {  	[dreg:$0x3] =	wrdreg s16  }
0xb6: {  	[dreg:$0x4] =	wrdreg $0x9  }
0xb7: {  	_ =	task.clear_ibuf [dreg:s7], $0x5FFFF;
	_ =	strace $0x90000046  }
0xb8: {  	s29 =	simm.s32 $0x9;
	_ =	strace $0x80000048  }
0xb9: {  	_ =	swait.ge [sflag:s29], $0x1  }
0xba: {  	[sflag:s29] =	ssyncadd.s32 $0xFFFFFFFF  }
0xbb: {  	_ =	strace $0x90000048  }
0xbc: {  	_ =	sfence  }
0xbd: {  	s30 =	sld [smem:$0x0];
	_ =	sdelay $0x2  }
0xbe: {  	s31 =	sshll.u32 s1, $0xD;
	s1 =	sshrl.u32 s1, $0x2  }
0xbf: {  	s3 =	sand.u32 $0x4000, s31;
	s1 =	sadd.s32 s1, s30  }
0xc0: {  	s0 =	sor.u32 s3, s0;
	s1 =	sshll.u32 s1, $0x11  }
0xc1: {  	s0 =	sor.u32 s1, s0  }
0xc2: {  	s0 =	sadd.s32 $0x8F2B, s0  }
0xc3: {  	[sflag:s0] =	ssyncadd.remote.s32 $0x1  }
0xc4: {  	_ =	sfence.sel $0xFFFF  }
0xc5: {  	[dreg:$0x0] =	wrdreg $0xFFFFFFFF;
	(pc) =	sbr.abs _section_cstart, $3  }
0xc6: {  	[dreg:$0x1] =	wrdreg $0xFFFFFFFF  }
0xc7: {  	_ =	task.clear_ibuf [dreg:s7], $0x2FFFF;
	_ =	strace $0x9FFFFFFF  }
0xc8: {  	(tm) =	ssettm $0x7FFFFFFF  }
0xc9: {  	_ =	shalt  }
tec
execute0_lowered:
.L_overlay_start_1:
0x0: {  	(tag) =	ssettag $0x1  }
0x1: {  	s1 =	srdreg.scid  }
0x2: {  	s3 =	rddreg [dreg:$0x0];
	s0 =	stileid.u32  }
0x3: {  	s4 =	rddreg [dreg:$0x1];
	s2 =	simm.s32 $0x0;
	s20 =	simm.s32 $0x1800  }
0x4: {  	s21 =	simm.s32 $0x100;
	s23 =	simm.s32 $0x2800;
	s24 =	simm.s32 $0x180  }
0x5: {  	s25 =	simm.s32 $0x3800;
	s26 =	simm.s32 $0x200;
	s7 =	simm.s32 $0x80  }
0x6: {  	s11 =	simm.s32 $0x300;
	s12 =	simm.s32 $0x6800;
	s13 =	simm.s32 $0x380  }
0x7: {  	s14 =	simm.s32 $0x7800;
	s15 =	simm.s32 $0x400;
	s16 =	simm.s32 $0x8800  }
0x8: {  	s17 =	simm.s32 $0x480;
	s18 =	simm.s32 $0x9800;
	[smem:$0x7FF] =	sst s2  }
0x9: {  	p0 =	por $0x0, $0x0;
	_ =	strace $0x80000047;
	[dreg:$0x5] =	wrdreg s20  }
0xa: {  	s28 =	simm.s32 $0x700;
	s29 =	simm.s32 $0xE800;
	[dreg:$0x6] =	wrdreg s21  }
0xb: {  	s30 =	simm.s32 $0x780;
	s31 =	simm.s32 $0xF800;
	[dreg:$0x7] =	wrdreg s23  }
0xc: {  	s1 =	sand.u32 $0x1, s1;
	s5 =	sshll.u32 s0, $0xC;
	[dreg:$0x8] =	wrdreg s24  }
0xd: {  	s6 =	sshll.u32 s1, $0xB;
	s1 =	ssub.s32 $0x2, s1;
	[dreg:$0x9] =	wrdreg s25  }
0xe: {  	[dreg:$0xa] =	wrdreg s26;
	s20 =	simm.s32 $0xA800;
	s22 =	sshrl.u32 s1, $0x1  }
0xf: {  	s21 =	simm.s32 $0x580;
	s23 =	simm.s32 $0x600;
	s1 =	ssub.s32 s1, s22  }
0x10: {  	s24 =	simm.s32 $0xC800;
	s25 =	simm.s32 $0x680;
	s1 =	smax.u32 s1, $0x1  }
0x11: {  	s26 =	simm.s32 $0xD800;
	s5 =	sor.u32 s6, s5;
	p1 =	sne.s32 s1, $0x1  }
.Ltmp0:
0x12: {  	s6 =	sshll.u32 s5, $0x2;
	s5 =	sshrl.u32 s5, $0x3;
	(pc) =	sbr.rel @!p1 .LBB2_3-.Ltmp0, $4  }
0x13: {  	s22 =	simm.s32 $0xB800;
	s6 =	sadd.s32 s6, s3;
	s4 =	sadd.s32 s4, s5  }
0x14: {  	s5 =	simm.s32 $0x1;
	[dreg:$0x3] =	wrdreg s4;
	s19 =	sadd.s32 $0x21C00, s6  }
0x15: {  	s6 =	sadd.s32 $0x1C00, s3;
	s3 =	simm.s32 $0x2;
	s4 =	simm.s32 $0x800  }
0x16: {  	s8 =	sadd.s32 $0xFFFFFFFF, s1;
	[dreg:$0x4] =	wrdreg s19;
	s19 =	simm.s32 $0x500  }
0x17: {  	s0 =	rddreg [dreg:$0x3]  }
0x18: {  	[tilespmem:s2], [sflag:$0x2] =	stream.linear.gather [hbm4b:s0+s2], $0x800, $0x38;
	[tilespmem:$0x10800] =	vst v63  }
0x19: {  	_ =	swait.ge [sflag:s3], $0x800  }
0x1a: {  	s10 =	rddreg [dreg:$0x6]  }
0x1b: {  	s1 =	rddreg [dreg:$0x5]  }
0x1c: {  	s0 =	rddreg [dreg:$0x7]  }
0x1d: {  	[sflag:s3] =	ssyncset.done $0x0;
	[dreg:$0xb] =	wrdreg s10  }
0x1e: {  	[sflag:s3] =	ssyncadd.s32 $0xFFFFF800;
	s10 =	rddreg [dreg:$0x9]  }
0x1f: {  	[tilespmem:s4], [sflag:$0x1] =	stream.indirect.gather [hbm4b:s6+s7], $0x20, s2, s7, $0xb8;
	[tilespmem:$0x10800] =	vst v63  }
0x20: {  	[dreg:$0xc] =	wrdreg s10  }
0x21: {  	s10 =	rddreg [dreg:$0xb]  }
0x22: {  	[tilespmem:s1], [sflag:$0x1] =	stream.indirect.gather [hbm4b:s6+s7], $0x20, s7, s7, $0xb8;
	[tilespmem:$0x10800] =	vst v63  }
0x23: {  	s1 =	rddreg [dreg:$0x8]  }
0x24: {  	[tilespmem:s0], [sflag:$0x1] =	stream.indirect.gather [hbm4b:s6+s7], $0x20, s10, s7, $0xb8;
	[tilespmem:$0x10800] =	vst v63  }
0x25: {  	s10 =	rddreg [dreg:$0xc]  }
0x26: {  	[tilespmem:s10], [sflag:$0x1] =	stream.indirect.gather [hbm4b:s6+s7], $0x20, s1, s7, $0xb8;
	[tilespmem:$0x10800] =	vst v63  }
0x27: {  	s9 =	simm.s32 $0x4800;
	s0 =	rddreg [dreg:$0xa]  }
0x28: {  	[tilespmem:s9], [sflag:$0x1] =	stream.indirect.gather [hbm4b:s6+s7], $0x20, s0, s7, $0xb8;
	[tilespmem:$0x10800] =	vst v63  }
0x29: {  	s1 =	simm.s32 $0x280;
	s9 =	simm.s32 $0x5800  }
0x2a: {  	[tilespmem:s9], [sflag:$0x1] =	stream.indirect.gather [hbm4b:s6+s7], $0x20, s1, s7, $0xb8;
	[tilespmem:$0x10800] =	vst v63  }
0x2b: {  	_ = 	snop  }
0x2c: {  	[tilespmem:s12], [sflag:$0x1] =	stream.indirect.gather [hbm4b:s6+s7], $0x20, s11, s7, $0xb8;
	[tilespmem:$0x10800] =	vst v63  }
0x2d: {  	_ = 	snop  }
0x2e: {  	[tilespmem:s14], [sflag:$0x1] =	stream.indirect.gather [hbm4b:s6+s7], $0x20, s13, s7, $0xb8;
	[tilespmem:$0x10800] =	vst v63  }
0x2f: {  	_ = 	snop  }
0x30: {  	[tilespmem:s16], [sflag:$0x1] =	stream.indirect.gather [hbm4b:s6+s7], $0x20, s15, s7, $0xb8;
	[tilespmem:$0x10800] =	vst v63  }
0x31: {  	_ = 	snop  }
0x32: {  	[tilespmem:s18], [sflag:$0x1] =	stream.indirect.gather [hbm4b:s6+s7], $0x20, s17, s7, $0xb8;
	[tilespmem:$0x10800] =	vst v63  }
0x33: {  	_ = 	snop  }
0x34: {  	[tilespmem:s20], [sflag:$0x1] =	stream.indirect.gather [hbm4b:s6+s7], $0x20, s19, s7, $0xb8;
	[tilespmem:$0x10800] =	vst v63  }
0x35: {  	_ = 	snop  }
0x36: {  	[tilespmem:s22], [sflag:$0x1] =	stream.indirect.gather [hbm4b:s6+s7], $0x20, s21, s7, $0xb8;
	[tilespmem:$0x10800] =	vst v63  }
0x37: {  	_ = 	snop  }
0x38: {  	[tilespmem:s24], [sflag:$0x1] =	stream.indirect.gather [hbm4b:s6+s7], $0x20, s23, s7, $0xb8;
	[tilespmem:$0x10800] =	vst v63  }
0x39: {  	_ = 	snop  }
0x3a: {  	[tilespmem:s26], [sflag:$0x1] =	stream.indirect.gather [hbm4b:s6+s7], $0x20, s25, s7, $0xb8;
	[tilespmem:$0x10800] =	vst v63  }
0x3b: {  	_ = 	snop  }
0x3c: {  	[tilespmem:s29], [sflag:$0x1] =	stream.indirect.gather [hbm4b:s6+s7], $0x20, s28, s7, $0xb8;
	[tilespmem:$0x10800] =	vst v63  }
0x3d: {  	_ = 	snop  }
0x3e: {  	[tilespmem:s31], [sflag:$0x1] =	stream.indirect.gather [hbm4b:s6+s7], $0x20, s30, s7, $0xb8;
	[tilespmem:$0x10800] =	vst v63  }
0x3f: {  	_ =	swait.ge [sflag:s5], $0x1000  }
0x40: {  	[sflag:s5] =	ssyncset.done $0x0  }
0x41: {  	[sflag:s5] =	ssyncadd.s32 $0xFFFFF000  }
0x42: {  	_ =	swait.ge [sflag:s5], $0x1000  }
0x43: {  	[sflag:s5] =	ssyncset.done $0x0  }
0x44: {  	[sflag:s5] =	ssyncadd.s32 $0xFFFFF000  }
0x45: {  	_ =	swait.ge [sflag:s5], $0x1000  }
0x46: {  	[sflag:s5] =	ssyncset.done $0x0  }
0x47: {  	[sflag:s5] =	ssyncadd.s32 $0xFFFFF000  }
0x48: {  	_ =	swait.ge [sflag:s5], $0x1000  }
0x49: {  	[sflag:s5] =	ssyncset.done $0x0  }
0x4a: {  	[sflag:s5] =	ssyncadd.s32 $0xFFFFF000  }
0x4b: {  	_ =	swait.ge [sflag:s5], $0x1000  }
0x4c: {  	[sflag:s5] =	ssyncset.done $0x0  }
0x4d: {  	[sflag:s5] =	ssyncadd.s32 $0xFFFFF000  }
0x4e: {  	_ =	swait.ge [sflag:s5], $0x1000  }
0x4f: {  	[sflag:s5] =	ssyncset.done $0x0  }
0x50: {  	[sflag:s5] =	ssyncadd.s32 $0xFFFFF000  }
0x51: {  	_ =	swait.ge [sflag:s5], $0x1000  }
0x52: {  	[sflag:s5] =	ssyncset.done $0x0  }
0x53: {  	[sflag:s5] =	ssyncadd.s32 $0xFFFFF000  }
0x54: {  	_ =	swait.ge [sflag:s5], $0x1000  }
0x55: {  	[sflag:s5] =	ssyncset.done $0x0  }
0x56: {  	[sflag:s5] =	ssyncadd.s32 $0xFFFFF000  }
0x57: {  	_ =	swait.ge [sflag:s5], $0x1000  }
0x58: {  	[sflag:s5] =	ssyncset.done $0x0  }
0x59: {  	[sflag:s5] =	ssyncadd.s32 $0xFFFFF000  }
0x5a: {  	_ =	swait.ge [sflag:s5], $0x1000  }
0x5b: {  	[sflag:s5] =	ssyncset.done $0x0  }
0x5c: {  	[sflag:s5] =	ssyncadd.s32 $0xFFFFF000  }
0x5d: {  	_ =	swait.ge [sflag:s5], $0x1000  }
0x5e: {  	[sflag:s5] =	ssyncset.done $0x0  }
0x5f: {  	[sflag:s5] =	ssyncadd.s32 $0xFFFFF000  }
0x60: {  	_ =	swait.ge [sflag:s5], $0x1000  }
0x61: {  	[sflag:s5] =	ssyncset.done $0x0  }
0x62: {  	[sflag:s5] =	ssyncadd.s32 $0xFFFFF000  }
0x63: {  	_ =	swait.ge [sflag:s5], $0x1000  }
0x64: {  	[sflag:s5] =	ssyncset.done $0x0  }
0x65: {  	[sflag:s5] =	ssyncadd.s32 $0xFFFFF000  }
0x66: {  	_ =	swait.ge [sflag:s5], $0x1000  }
0x67: {  	[sflag:s5] =	ssyncset.done $0x0  }
0x68: {  	[sflag:s5] =	ssyncadd.s32 $0xFFFFF000  }
0x69: {  	_ =	swait.ge [sflag:s5], $0x1000  }
0x6a: {  	p1 =	sne.s32 s8, $0x1;
	[sflag:s5] =	ssyncset.done $0x0  }
.Ltmp1:
0x6b: {  	[sflag:s5] =	ssyncadd.s32 $0xFFFFF000;
	(pc) =	sbr.rel @!p1 .LBB2_3-.Ltmp1, $4  }
0x6c: {  	_ =	swait.ge [sflag:s5], $0x1000  }
0x6d: {  	p0 =	por $0x1, $0x1;
	[sflag:s5] =	ssyncset.done $0x0  }
0x6e: {  	s1 =	sadd.s32 $0xFFFFFFFF, s8;
	s10 =	rddreg [dreg:$0x4];
	[sflag:s5] =	ssyncadd.s32 $0xFFFFF000  }
0x6f: {  	[hbm4b:s10+s2] =	stream.linear.scatter [tilespmem:s4], [sflag:$0x2], $0x10000, $0x38;
	[tilespmem:$0x10800] =	vst v63  }
.LBB2_2:
0x70: {  	_ =	swait.ge [sflag:s3], $0x10000  }
0x71: {  	[sflag:s3] =	ssyncset.done $0x0  }
0x72: {  	s0 =	rddreg [dreg:$0x3];
	[sflag:s3] =	ssyncadd.s32 $0xFFFF0000  }
0x73: {  	[tilespmem:s2], [sflag:$0x2] =	stream.linear.gather [hbm4b:s0+s2], $0x800, $0x38;
	[tilespmem:$0x10800] =	vst v63  }
0x74: {  	_ =	swait.ge [sflag:s3], $0x800  }
0x75: {  	s0 =	rddreg [dreg:$0x6];
	[sflag:s3] =	ssyncset.done $0x0  }
0x76: {  	s8 =	rddreg [dreg:$0x5];
	[sflag:s3] =	ssyncadd.s32 $0xFFFFF800  }
0x77: {  	[tilespmem:s4], [sflag:$0x1] =	stream.indirect.gather [hbm4b:s6+s7], $0x20, s2, s7, $0xb8;
	[tilespmem:$0x10800] =	vst v63  }
0x78: {  	s9 =	rddreg [dreg:$0x7]  }
0x79: {  	[tilespmem:s8], [sflag:$0x1] =	stream.indirect.gather [hbm4b:s6+s7], $0x20, s7, s7, $0xb8;
	[tilespmem:$0x10800] =	vst v63  }
0x7a: {  	s10 =	rddreg [dreg:$0x9]  }
0x7b: {  	[tilespmem:s9], [sflag:$0x1] =	stream.indirect.gather [hbm4b:s6+s7], $0x20, s0, s7, $0xb8;
	[tilespmem:$0x10800] =	vst v63  }
0x7c: {  	s8 =	rddreg [dreg:$0x8]  }
0x7d: {  	[tilespmem:s10], [sflag:$0x1] =	stream.indirect.gather [hbm4b:s6+s7], $0x20, s8, s7, $0xb8;
	[tilespmem:$0x10800] =	vst v63  }
0x7e: {  	s0 =	rddreg [dreg:$0xa];
	s8 =	simm.s32 $0x4800  }
0x7f: {  	[tilespmem:s8], [sflag:$0x1] =	stream.indirect.gather [hbm4b:s6+s7], $0x20, s0, s7, $0xb8;
	[tilespmem:$0x10800] =	vst v63  }
0x80: {  	s9 =	simm.s32 $0x280;
	s10 =	simm.s32 $0x5800  }
0x81: {  	[tilespmem:s10], [sflag:$0x1] =	stream.indirect.gather [hbm4b:s6+s7], $0x20, s9, s7, $0xb8;
	[tilespmem:$0x10800] =	vst v63  }
0x82: {  	_ = 	snop  }
0x83: {  	[tilespmem:s12], [sflag:$0x1] =	stream.indirect.gather [hbm4b:s6+s7], $0x20, s11, s7, $0xb8;
	[tilespmem:$0x10800] =	vst v63  }
0x84: {  	_ = 	snop  }
0x85: {  	[tilespmem:s14], [sflag:$0x1] =	stream.indirect.gather [hbm4b:s6+s7], $0x20, s13, s7, $0xb8;
	[tilespmem:$0x10800] =	vst v63  }
0x86: {  	_ = 	snop  }
0x87: {  	[tilespmem:s16], [sflag:$0x1] =	stream.indirect.gather [hbm4b:s6+s7], $0x20, s15, s7, $0xb8;
	[tilespmem:$0x10800] =	vst v63  }
0x88: {  	_ = 	snop  }
0x89: {  	[tilespmem:s18], [sflag:$0x1] =	stream.indirect.gather [hbm4b:s6+s7], $0x20, s17, s7, $0xb8;
	[tilespmem:$0x10800] =	vst v63  }
0x8a: {  	_ = 	snop  }
0x8b: {  	[tilespmem:s20], [sflag:$0x1] =	stream.indirect.gather [hbm4b:s6+s7], $0x20, s19, s7, $0xb8;
	[tilespmem:$0x10800] =	vst v63  }
0x8c: {  	_ = 	snop  }
0x8d: {  	[tilespmem:s22], [sflag:$0x1] =	stream.indirect.gather [hbm4b:s6+s7], $0x20, s21, s7, $0xb8;
	[tilespmem:$0x10800] =	vst v63  }
0x8e: {  	_ = 	snop  }
0x8f: {  	[tilespmem:s24], [sflag:$0x1] =	stream.indirect.gather [hbm4b:s6+s7], $0x20, s23, s7, $0xb8;
	[tilespmem:$0x10800] =	vst v63  }
0x90: {  	_ = 	snop  }
0x91: {  	[tilespmem:s26], [sflag:$0x1] =	stream.indirect.gather [hbm4b:s6+s7], $0x20, s25, s7, $0xb8;
	[tilespmem:$0x10800] =	vst v63  }
0x92: {  	_ = 	snop  }
0x93: {  	[tilespmem:s29], [sflag:$0x1] =	stream.indirect.gather [hbm4b:s6+s7], $0x20, s28, s7, $0xb8;
	[tilespmem:$0x10800] =	vst v63  }
0x94: {  	_ = 	snop  }
0x95: {  	[tilespmem:s31], [sflag:$0x1] =	stream.indirect.gather [hbm4b:s6+s7], $0x20, s30, s7, $0xb8;
	[tilespmem:$0x10800] =	vst v63  }
0x96: {  	_ =	swait.ge [sflag:s5], $0x1000  }
0x97: {  	[sflag:s5] =	ssyncset.done $0x0  }
0x98: {  	[sflag:s5] =	ssyncadd.s32 $0xFFFFF000  }
0x99: {  	_ =	swait.ge [sflag:s5], $0x1000  }
0x9a: {  	[sflag:s5] =	ssyncset.done $0x0  }
0x9b: {  	[sflag:s5] =	ssyncadd.s32 $0xFFFFF000  }
0x9c: {  	_ =	swait.ge [sflag:s5], $0x1000  }
0x9d: {  	[sflag:s5] =	ssyncset.done $0x0  }
0x9e: {  	[sflag:s5] =	ssyncadd.s32 $0xFFFFF000  }
0x9f: {  	_ =	swait.ge [sflag:s5], $0x1000  }
0xa0: {  	[sflag:s5] =	ssyncset.done $0x0  }
0xa1: {  	[sflag:s5] =	ssyncadd.s32 $0xFFFFF000  }
0xa2: {  	_ =	swait.ge [sflag:s5], $0x1000  }
0xa3: {  	[sflag:s5] =	ssyncset.done $0x0  }
0xa4: {  	[sflag:s5] =	ssyncadd.s32 $0xFFFFF000  }
0xa5: {  	_ =	swait.ge [sflag:s5], $0x1000  }
0xa6: {  	[sflag:s5] =	ssyncset.done $0x0  }
0xa7: {  	[sflag:s5] =	ssyncadd.s32 $0xFFFFF000  }
0xa8: {  	_ =	swait.ge [sflag:s5], $0x1000  }
0xa9: {  	[sflag:s5] =	ssyncset.done $0x0  }
0xaa: {  	[sflag:s5] =	ssyncadd.s32 $0xFFFFF000  }
0xab: {  	_ =	swait.ge [sflag:s5], $0x1000  }
0xac: {  	[sflag:s5] =	ssyncset.done $0x0  }
0xad: {  	[sflag:s5] =	ssyncadd.s32 $0xFFFFF000  }
0xae: {  	_ =	swait.ge [sflag:s5], $0x1000  }
0xaf: {  	[sflag:s5] =	ssyncset.done $0x0  }
0xb0: {  	[sflag:s5] =	ssyncadd.s32 $0xFFFFF000  }
0xb1: {  	_ =	swait.ge [sflag:s5], $0x1000  }
0xb2: {  	[sflag:s5] =	ssyncset.done $0x0  }
0xb3: {  	[sflag:s5] =	ssyncadd.s32 $0xFFFFF000  }
0xb4: {  	_ =	swait.ge [sflag:s5], $0x1000  }
0xb5: {  	[sflag:s5] =	ssyncset.done $0x0  }
0xb6: {  	[sflag:s5] =	ssyncadd.s32 $0xFFFFF000  }
0xb7: {  	_ =	swait.ge [sflag:s5], $0x1000  }
0xb8: {  	[sflag:s5] =	ssyncset.done $0x0  }
0xb9: {  	[sflag:s5] =	ssyncadd.s32 $0xFFFFF000  }
0xba: {  	_ =	swait.ge [sflag:s5], $0x1000  }
0xbb: {  	[sflag:s5] =	ssyncset.done $0x0  }
0xbc: {  	[sflag:s5] =	ssyncadd.s32 $0xFFFFF000  }
0xbd: {  	_ =	swait.ge [sflag:s5], $0x1000  }
0xbe: {  	[sflag:s5] =	ssyncset.done $0x0  }
0xbf: {  	[sflag:s5] =	ssyncadd.s32 $0xFFFFF000  }
0xc0: {  	_ =	swait.ge [sflag:s5], $0x1000  }
0xc1: {  	p1 =	sne.s32 s1, $0x1;
	[sflag:s5] =	ssyncset.done $0x0  }
.Ltmp2:
0xc2: {  	[sflag:s5] =	ssyncadd.s32 $0xFFFFF000;
	(pc) =	sbr.rel @p1 .LBB2_2-.Ltmp2, $4  }
0xc3: {  	_ =	swait.ge [sflag:s5], $0x1000  }
0xc4: {  	[sflag:s5] =	ssyncset.done $0x0  }
0xc5: {  	s1 =	sadd.s32 $0xFFFFFFFF, s1;
	s10 =	rddreg [dreg:$0x4];
	[sflag:s5] =	ssyncadd.s32 $0xFFFFF000  }
0xc6: {  	[hbm4b:s10+s2] =	stream.linear.scatter [tilespmem:s4], [sflag:$0x2], $0x10000, $0x38;
	[tilespmem:$0x10800] =	vst v63  }
.LBB2_3:
0xc7: {  	_ =	swait.ge @p0 [sflag:s3], $0x10000  }
0xc8: {  	[sflag:s3] =	ssyncset.done @p0 $0x0  }
0xc9: {  	s0 =	rddreg [dreg:$0x3];
	[sflag:s3] =	ssyncadd.s32 @p0 $0xFFFF0000  }
0xca: {  	[tilespmem:s2], [sflag:$0x2] =	stream.linear.gather [hbm4b:s0+s2], $0x800, $0x38;
	[tilespmem:$0x10800] =	vst v63  }
0xcb: {  	_ =	swait.ge [sflag:s3], $0x800  }
0xcc: {  	[sflag:s3] =	ssyncset.done $0x0;
	s10 =	rddreg [dreg:$0x5]  }
0xcd: {  	s0 =	rddreg [dreg:$0x6];
	[sflag:s3] =	ssyncadd.s32 $0xFFFFF800  }
0xce: {  	[tilespmem:s4], [sflag:$0x1] =	stream.indirect.gather [hbm4b:s6+s7], $0x20, s2, s7, $0xb8;
	[tilespmem:$0x10800] =	vst v63  }
0xcf: {  	s1 =	rddreg [dreg:$0x7]  }
0xd0: {  	[tilespmem:s10], [sflag:$0x1] =	stream.indirect.gather [hbm4b:s6+s7], $0x20, s7, s7, $0xb8;
	[tilespmem:$0x10800] =	vst v63  }
0xd1: {  	s8 =	rddreg [dreg:$0x9]  }
0xd2: {  	[tilespmem:s1], [sflag:$0x1] =	stream.indirect.gather [hbm4b:s6+s7], $0x20, s0, s7, $0xb8;
	[tilespmem:$0x10800] =	vst v63  }
0xd3: {  	s9 =	rddreg [dreg:$0x8]  }
0xd4: {  	[tilespmem:s8], [sflag:$0x1] =	stream.indirect.gather [hbm4b:s6+s7], $0x20, s9, s7, $0xb8;
	[tilespmem:$0x10800] =	vst v63  }
0xd5: {  	s10 =	simm.s32 $0x4800;
	s1 =	rddreg [dreg:$0xa]  }
0xd6: {  	[tilespmem:s10], [sflag:$0x1] =	stream.indirect.gather [hbm4b:s6+s7], $0x20, s1, s7, $0xb8;
	[tilespmem:$0x10800] =	vst v63  }
0xd7: {  	s9 =	simm.s32 $0x5800;
	s10 =	simm.s32 $0x280  }
0xd8: {  	[tilespmem:s9], [sflag:$0x1] =	stream.indirect.gather [hbm4b:s6+s7], $0x20, s10, s7, $0xb8;
	[tilespmem:$0x10800] =	vst v63  }
0xd9: {  	_ = 	snop  }
0xda: {  	[tilespmem:s12], [sflag:$0x1] =	stream.indirect.gather [hbm4b:s6+s7], $0x20, s11, s7, $0xb8;
	[tilespmem:$0x10800] =	vst v63  }
0xdb: {  	_ = 	snop  }
0xdc: {  	[tilespmem:s14], [sflag:$0x1] =	stream.indirect.gather [hbm4b:s6+s7], $0x20, s13, s7, $0xb8;
	[tilespmem:$0x10800] =	vst v63  }
0xdd: {  	_ = 	snop  }
0xde: {  	[tilespmem:s16], [sflag:$0x1] =	stream.indirect.gather [hbm4b:s6+s7], $0x20, s15, s7, $0xb8;
	[tilespmem:$0x10800] =	vst v63  }
0xdf: {  	_ = 	snop  }
0xe0: {  	[tilespmem:s18], [sflag:$0x1] =	stream.indirect.gather [hbm4b:s6+s7], $0x20, s17, s7, $0xb8;
	[tilespmem:$0x10800] =	vst v63  }
0xe1: {  	_ = 	snop  }
0xe2: {  	[tilespmem:s20], [sflag:$0x1] =	stream.indirect.gather [hbm4b:s6+s7], $0x20, s19, s7, $0xb8;
	[tilespmem:$0x10800] =	vst v63  }
0xe3: {  	_ = 	snop  }
0xe4: {  	[tilespmem:s22], [sflag:$0x1] =	stream.indirect.gather [hbm4b:s6+s7], $0x20, s21, s7, $0xb8;
	[tilespmem:$0x10800] =	vst v63  }
0xe5: {  	_ = 	snop  }
0xe6: {  	[tilespmem:s24], [sflag:$0x1] =	stream.indirect.gather [hbm4b:s6+s7], $0x20, s23, s7, $0xb8;
	[tilespmem:$0x10800] =	vst v63  }
0xe7: {  	_ = 	snop  }
0xe8: {  	[tilespmem:s26], [sflag:$0x1] =	stream.indirect.gather [hbm4b:s6+s7], $0x20, s25, s7, $0xb8;
	[tilespmem:$0x10800] =	vst v63  }
0xe9: {  	_ = 	snop  }
0xea: {  	[tilespmem:s29], [sflag:$0x1] =	stream.indirect.gather [hbm4b:s6+s7], $0x20, s28, s7, $0xb8;
	[tilespmem:$0x10800] =	vst v63  }
0xeb: {  	_ = 	snop  }
0xec: {  	[tilespmem:s31], [sflag:$0x1] =	stream.indirect.gather [hbm4b:s6+s7], $0x20, s30, s7, $0xb8;
	[tilespmem:$0x10800] =	vst v63  }
0xed: {  	_ =	swait.ge [sflag:s5], $0x1000  }
0xee: {  	[sflag:s5] =	ssyncset.done $0x0  }
0xef: {  	[sflag:s5] =	ssyncadd.s32 $0xFFFFF000  }
0xf0: {  	_ =	swait.ge [sflag:s5], $0x1000  }
0xf1: {  	[sflag:s5] =	ssyncset.done $0x0  }
0xf2: {  	[sflag:s5] =	ssyncadd.s32 $0xFFFFF000  }
0xf3: {  	_ =	swait.ge [sflag:s5], $0x1000  }
0xf4: {  	[sflag:s5] =	ssyncset.done $0x0  }
0xf5: {  	[sflag:s5] =	ssyncadd.s32 $0xFFFFF000  }
0xf6: {  	_ =	swait.ge [sflag:s5], $0x1000  }
0xf7: {  	[sflag:s5] =	ssyncset.done $0x0  }
0xf8: {  	[sflag:s5] =	ssyncadd.s32 $0xFFFFF000  }
0xf9: {  	_ =	swait.ge [sflag:s5], $0x1000  }
0xfa: {  	[sflag:s5] =	ssyncset.done $0x0  }
0xfb: {  	[sflag:s5] =	ssyncadd.s32 $0xFFFFF000  }
0xfc: {  	_ =	swait.ge [sflag:s5], $0x1000  }
0xfd: {  	[sflag:s5] =	ssyncset.done $0x0  }
0xfe: {  	[sflag:s5] =	ssyncadd.s32 $0xFFFFF000  }
0xff: {  	_ =	swait.ge [sflag:s5], $0x1000  }
0x100: {  	[sflag:s5] =	ssyncset.done $0x0  }
0x101: {  	[sflag:s5] =	ssyncadd.s32 $0xFFFFF000  }
0x102: {  	_ =	swait.ge [sflag:s5], $0x1000  }
0x103: {  	[sflag:s5] =	ssyncset.done $0x0  }
0x104: {  	[sflag:s5] =	ssyncadd.s32 $0xFFFFF000  }
0x105: {  	_ =	swait.ge [sflag:s5], $0x1000  }
0x106: {  	[sflag:s5] =	ssyncset.done $0x0  }
0x107: {  	[sflag:s5] =	ssyncadd.s32 $0xFFFFF000  }
0x108: {  	_ =	swait.ge [sflag:s5], $0x1000  }
0x109: {  	[sflag:s5] =	ssyncset.done $0x0  }
0x10a: {  	[sflag:s5] =	ssyncadd.s32 $0xFFFFF000  }
0x10b: {  	_ =	swait.ge [sflag:s5], $0x1000  }
0x10c: {  	[sflag:s5] =	ssyncset.done $0x0  }
0x10d: {  	[sflag:s5] =	ssyncadd.s32 $0xFFFFF000  }
0x10e: {  	_ =	swait.ge [sflag:s5], $0x1000  }
0x10f: {  	[sflag:s5] =	ssyncset.done $0x0  }
0x110: {  	[sflag:s5] =	ssyncadd.s32 $0xFFFFF000  }
0x111: {  	_ =	swait.ge [sflag:s5], $0x1000  }
0x112: {  	[sflag:s5] =	ssyncset.done $0x0  }
0x113: {  	[sflag:s5] =	ssyncadd.s32 $0xFFFFF000  }
0x114: {  	_ =	swait.ge [sflag:s5], $0x1000  }
0x115: {  	[sflag:s5] =	ssyncset.done $0x0  }
0x116: {  	[sflag:s5] =	ssyncadd.s32 $0xFFFFF000  }
0x117: {  	_ =	swait.ge [sflag:s5], $0x1000  }
0x118: {  	[sflag:s5] =	ssyncset.done $0x0  }
0x119: {  	[sflag:s5] =	ssyncadd.s32 $0xFFFFF000  }
0x11a: {  	_ =	swait.ge [sflag:s5], $0x1000  }
0x11b: {  	[sflag:s5] =	ssyncset.done $0x0  }
0x11c: {  	s30 =	rddreg [dreg:$0x4];
	[sflag:s5] =	ssyncadd.s32 $0xFFFFF000  }
0x11d: {  	[hbm4b:s30+s2] =	stream.linear.scatter [tilespmem:s4], [sflag:$0x2], $0x10000, $0x38;
	[tilespmem:$0x10800] =	vst v63  }
0x11e: {  	_ =	swait.ge [sflag:s3], $0x10000  }
0x11f: {  	[sflag:s3] =	ssyncset.done $0x0  }
0x120: {  	[sflag:s3] =	ssyncadd.s32 $0xFFFF0000  }
0x121: {  	_ =	sfence.sel $0x180000  }
0x122: {  	[bflag:$0x0] =	sbarrier.arrive $0xFFFF  }
0x123: {  	_ =	strace $0x90000047  }
0x124: {  	s31 =	stileid.u32;
	[bflag:$0x2] =	sbarrier.arrive $0xFFFF  }
0x125: {  	p0 =	sne.s32 s31, $0x0;
	s0 =	rddreg [dreg:$0x2]  }
0x126: {  	s0 =	sadd.s32 @!p0 $0x100000, s0  }
0x127: {  	[sflag:s0] =	ssyncadd.tile.s32 @!p0 $0x1;
	_ =	shalt  }
.Lfunc_end2:
_tile_overlayer_lowered:
.L_overlay_start_2:
0x128: {  	(tag) =	ssettag $0x2  }
0x129: {  	s0 =	rddreg [dreg:$0x0];
	s2 =	stileid.u32  }
0x12a: {  	s1 =	rddreg [dreg:$0x1];
	p0 =	sne.s32 s2, $0x0  }
0x12b: {  	s3 =	rddreg [dreg:$0x2];
	[bflag:$0x3] =	sbarrier.arrive $0xFFFF;
	s2 =	simm.s32 @!p0 $0x1C02  }
0x12c: {  	[timem:s3], [sflag:s2] =	dma.local @!p0 [hbm:s0], s1  }
0x12d: {  	s0 =	simm.s32 @!p0 $0x2  }
0x12e: {  	_ =	swait.ge @!p0 [sflag:s0], s1  }
0x12f: {  	s1 =	ssub.s32 @!p0 $0x0, s1;
	[sflag:s0] =	ssyncset.done @!p0 $0x0  }
0x130: {  	[sflag:s0] =	ssyncadd.s32 @!p0 s1  }
0x131: {  	[bflag:$0x3] =	sbarrier.arrive $0xFFFF  }
0x132: {  	_ =	shalt  }

</sc_bundles>
